<compile_context>
chip_gen: v7x
topology: tpu7x:2x2x1
jax: 0.10.2.dev20260603
libtpu: 0.0.44.dev20260713+nightly
codegen_flags: <defaults>
</compile_context>

<pallas_src>
import functools

import jax
import jax.numpy as jnp
from jax import lax
from jax.experimental import pallas as pl
from jax.experimental.pallas import tpu as pltpu
from jax.experimental.pallas import tpu_sc as plsc

MAX_LEN = 8192
HIDDEN_DIM = 1024

_INFO = plsc.get_sparse_core_info()
_NC = _INFO.num_cores
_NS = _INFO.num_subcores
_NW = _NC * _NS
_B_PER_W = MAX_LEN // _NW
_CHUNK = 16
_NCHUNK = _B_PER_W // _CHUNK
_NBUF = 7


def _pos_encoding_kernel(pos_hbm, table_hbm, out_hbm, idx_v, rows_v, *sems):
    gsems, ssems = sems[:_NBUF], sems[_NBUF:]
    wid = lax.axis_index("s") * _NC + lax.axis_index("c")
    base = wid * _B_PER_W

    pltpu.sync_copy(pos_hbm.at[wid], idx_v)

    def gather(c):
        return pltpu.async_copy(table_hbm.at[idx_v.at[c]],
                                rows_v.at[c % _NBUF], gsems[c % _NBUF])

    gh = [None] * _NCHUNK
    sh = [None] * _NCHUNK
    for c in range(_NBUF):
        gh[c] = gather(c)
    for c in range(_NCHUNK):
        gh[c].wait()
        sh[c] = pltpu.async_copy(
            rows_v.at[c % _NBUF],
            out_hbm.at[pl.ds(base + c * _CHUNK, _CHUNK)], ssems[c % _NBUF])
        if c + _NBUF < _NCHUNK:
            sh[c].wait()
            gh[c + _NBUF] = gather(c + _NBUF)
    for c in range(_NCHUNK - _NBUF, _NCHUNK):
        sh[c].wait()


def kernel(seq_len, pos_embedding):
    positions = jnp.minimum(
        jnp.arange(MAX_LEN, dtype=jnp.int32),
        jnp.asarray(seq_len, jnp.int32) - 1,
    ).reshape(_NW, _NCHUNK, _CHUNK)
    kern = functools.partial(
        pl.kernel,
        mesh=plsc.VectorSubcoreMesh(core_axis_name="c", subcore_axis_name="s"),
        out_type=jax.ShapeDtypeStruct((MAX_LEN, HIDDEN_DIM), jnp.float32),
        scratch_types=[
            pltpu.VMEM((_NCHUNK, _CHUNK), jnp.int32),
            pltpu.VMEM((_NBUF, _CHUNK, HIDDEN_DIM), jnp.float32),
        ] + [pltpu.SemaphoreType.DMA] * (2 * _NBUF),
    )(_pos_encoding_kernel)
    return kern(positions, pos_embedding)

# --- scband reference (transcript-rebuilt; emitter-appended) ---
"""Pipeline reference for scband-position-encoding-47210280517679 (READ-ONLY COPY).

The authoritative reference and input builder live on the scoring server;
editing this copy changes nothing except your own understanding.
"""

import jax, jax.numpy as jnp
import numpy as np

MAX_LEN = 8192
HIDDEN_DIM = 1024

def setup_inputs(seed: int = 0) -> dict:
    key = jax.random.key(seed)
    k_table, = jax.random.split(key, 1)
    pos_embedding = jax.random.normal(k_table, (MAX_LEN, HIDDEN_DIM), dtype=jnp.float32)
    return {"seq_len": 8192, "pos_embedding": pos_embedding}

def reference(seq_len, pos_embedding):
    # positions = torch.arange(seq_len); return self.pos_embedding(positions)
    positions = jnp.minimum(jnp.arange(pos_embedding.shape[0]), seq_len - 1)
    return jnp.take(pos_embedding, positions, axis=0)

if __name__ == "__main__":
    import jax
    _d = setup_inputs()
    print(jax.jit(kernel)(*tuple(_d.values())))

</pallas_src>

<mosaic_0001>
#map = affine_map<(d0, d1) -> (0, 0, 0)>
#map1 = affine_map<(d0, d1) -> (0, 0)>
module attributes {stable_mosaic.version = 14 : i64} {
  func.func @_pos_encoding_kernel(%arg0: i32, %arg1: i32, %arg2: memref<32x16x16xi32, #tpu.memory_space<hbm>>, %arg3: memref<8192x1024xf32, #tpu.memory_space<hbm>>, %arg4: memref<8192x1024xf32, #tpu.memory_space<hbm>>, %arg5: memref<16x16xi32, #tpu.memory_space<vmem>>, %arg6: memref<7x16x1024xf32, #tpu.memory_space<vmem>>, %arg7: memref<!tpu.dma_semaphore, #tpu.memory_space<semaphore_mem>>, %arg8: memref<!tpu.dma_semaphore, #tpu.memory_space<semaphore_mem>>, %arg9: memref<!tpu.dma_semaphore, #tpu.memory_space<semaphore_mem>>, %arg10: memref<!tpu.dma_semaphore, #tpu.memory_space<semaphore_mem>>, %arg11: memref<!tpu.dma_semaphore, #tpu.memory_space<semaphore_mem>>, %arg12: memref<!tpu.dma_semaphore, #tpu.memory_space<semaphore_mem>>, %arg13: memref<!tpu.dma_semaphore, #tpu.memory_space<semaphore_mem>>, %arg14: memref<!tpu.dma_semaphore, #tpu.memory_space<semaphore_mem>>, %arg15: memref<!tpu.dma_semaphore, #tpu.memory_space<semaphore_mem>>, %arg16: memref<!tpu.dma_semaphore, #tpu.memory_space<semaphore_mem>>, %arg17: memref<!tpu.dma_semaphore, #tpu.memory_space<semaphore_mem>>, %arg18: memref<!tpu.dma_semaphore, #tpu.memory_space<semaphore_mem>>, %arg19: memref<!tpu.dma_semaphore, #tpu.memory_space<semaphore_mem>>, %arg20: memref<!tpu.dma_semaphore, #tpu.memory_space<semaphore_mem>>) attributes {dimension_semantics = [#tpu.dimension_semantics<core_parallel>, #tpu.dimension_semantics<subcore_parallel>], iteration_bounds = array<i64: 2, 16>, scalar_prefetch = 0 : i64, scratch_operands = 16 : i64, tpu.core_type = #tpu.core_type<sc_vector_subcore>, window_params = [{transform_indices = #map}, {transform_indices = #map1}, {transform_indices = #map1}]} {
    %mul3A = arith.constant 2 : i32
    %mul3A_0 = arith.muli %arg1, %mul3A : i32
    %add3A = arith.addi %mul3A_0, %arg0 : i32
    %mul3A_1 = arith.constant 256 : i32
    %mul3A_2 = arith.muli %add3A, %mul3A_1 : i32
    "tpu.region"() ({
      %run_scoped3A = tpu.sem_alloc : memref<!tpu.dma_semaphore, #tpu.memory_space<semaphore_mem>>
      %dma_start3A_833 = arith.constant 0 : i32
      %dma_start3A_834 = arith.constant 0 : i32
      %dma_start3A_835 = tpu.memref_slice %arg2[%add3A, %dma_start3A_833, %dma_start3A_834] : memref<32x16x16xi32, #tpu.memory_space<hbm>> -> memref<1x16x16xi32, #tpu.memory_space<hbm>>
      %dma_start3A_836 = tpu.memref_squeeze %dma_start3A_835 : memref<1x16x16xi32, #tpu.memory_space<hbm>> -> memref<16x16xi32, #tpu.memory_space<hbm>>
      %dma_start3A_837 = arith.constant 0 : i32
      %dma_start3A_838 = arith.constant 0 : i32
      %dma_start3A_839 = tpu.memref_slice %arg2[%add3A, %dma_start3A_837, %dma_start3A_838] : memref<32x16x16xi32, #tpu.memory_space<hbm>> -> memref<1x16x16xi32, #tpu.memory_space<hbm>>
      %dma_start3A_840 = tpu.memref_squeeze %dma_start3A_839 : memref<1x16x16xi32, #tpu.memory_space<hbm>> -> memref<16x16xi32, #tpu.memory_space<hbm>>
      tpu.enqueue_dma source(%dma_start3A_840 : memref<16x16xi32, #tpu.memory_space<hbm>>) target(%arg5 : memref<16x16xi32, #tpu.memory_space<vmem>>) target_semaphore(%run_scoped3A : memref<!tpu.dma_semaphore, #tpu.memory_space<semaphore_mem>>)
      %dma_wait3A_841 = arith.constant 0 : i32
      %dma_wait3A_842 = arith.constant 0 : i32
      %dma_wait3A_843 = tpu.memref_slice %arg2[%add3A, %dma_wait3A_841, %dma_wait3A_842] : memref<32x16x16xi32, #tpu.memory_space<hbm>> -> memref<1x16x16xi32, #tpu.memory_space<hbm>>
      %dma_wait3A_844 = tpu.memref_squeeze %dma_wait3A_843 : memref<1x16x16xi32, #tpu.memory_space<hbm>> -> memref<16x16xi32, #tpu.memory_space<hbm>>
      %dma_wait3A_845 = arith.constant 0 : i32
      %dma_wait3A_846 = arith.constant 0 : i32
      %dma_wait3A_847 = tpu.memref_slice %arg2[%add3A, %dma_wait3A_845, %dma_wait3A_846] : memref<32x16x16xi32, #tpu.memory_space<hbm>> -> memref<1x16x16xi32, #tpu.memory_space<hbm>>
      %dma_wait3A_848 = tpu.memref_squeeze %dma_wait3A_847 : memref<1x16x16xi32, #tpu.memory_space<hbm>> -> memref<16x16xi32, #tpu.memory_space<hbm>>
      tpu.wait_dma2 semaphore(%run_scoped3A : memref<!tpu.dma_semaphore, #tpu.memory_space<semaphore_mem>>) src(%dma_wait3A_848 : memref<16x16xi32, #tpu.memory_space<hbm>>) dst(%arg5 : memref<16x16xi32, #tpu.memory_space<vmem>>)
      tpu.yield
    }) : () -> ()
    %dma_start3A = arith.constant 0 : i32
    %dma_start3A_3 = arith.constant 0 : i32
    %dma_start3A_4 = arith.constant 0 : i32
    %dma_start3A_5 = arith.constant 0 : i32
    %dma_start3A_6 = tpu.memref_slice %arg6[%dma_start3A_3, %dma_start3A_4, %dma_start3A_5] : memref<7x16x1024xf32, #tpu.memory_space<vmem>> -> memref<1x16x1024xf32, #tpu.memory_space<vmem>>
    %dma_start3A_7 = tpu.memref_squeeze %dma_start3A_6 : memref<1x16x1024xf32, #tpu.memory_space<vmem>> -> memref<16x1024xf32, #tpu.memory_space<vmem>>
    %dma_start3A_8 = arith.constant 0 : i32
    %dma_start3A_9 = tpu.memref_slice %arg5[%dma_start3A, %dma_start3A_8] : memref<16x16xi32, #tpu.memory_space<vmem>> -> memref<1x16xi32, #tpu.memory_space<vmem>>
    %dma_start3A_10 = tpu.memref_squeeze %dma_start3A_9 : memref<1x16xi32, #tpu.memory_space<vmem>> -> memref<16xi32, #tpu.memory_space<vmem>>
    %dma_start3A_11 = arith.constant 0 : i32
    %dma_start3A_12 = arith.constant 0 : i32
    %dma_start3A_13 = tpu.memref_slice %arg3[%dma_start3A_11, %dma_start3A_12] : memref<8192x1024xf32, #tpu.memory_space<hbm>> -> memref<8192x1024xf32, #tpu.memory_space<hbm>>
    tpu.enqueue_indirect_dma source(%dma_start3A_13 : memref<8192x1024xf32, #tpu.memory_space<hbm>>) target(%dma_start3A_7 : memref<16x1024xf32, #tpu.memory_space<vmem>>) offsets(%dma_start3A_10 : memref<16xi32, #tpu.memory_space<vmem>>) semaphore(%arg7 : memref<!tpu.dma_semaphore, #tpu.memory_space<semaphore_mem>>)
    %dma_start3A_14 = arith.constant 1 : i32
    %dma_start3A_15 = arith.constant 1 : i32
    %dma_start3A_16 = arith.constant 0 : i32
    %dma_start3A_17 = arith.constant 0 : i32
    %dma_start3A_18 = tpu.memref_slice %arg6[%dma_start3A_15, %dma_start3A_16, %dma_start3A_17] : memref<7x16x1024xf32, #tpu.memory_space<vmem>> -> memref<1x16x1024xf32, #tpu.memory_space<vmem>>
    %dma_start3A_19 = tpu.memref_squeeze %dma_start3A_18 : memref<1x16x1024xf32, #tpu.memory_space<vmem>> -> memref<16x1024xf32, #tpu.memory_space<vmem>>
    %dma_start3A_20 = arith.constant 0 : i32
    %dma_start3A_21 = tpu.memref_slice %arg5[%dma_start3A_14, %dma_start3A_20] : memref<16x16xi32, #tpu.memory_space<vmem>> -> memref<1x16xi32, #tpu.memory_space<vmem>>
    %dma_start3A_22 = tpu.memref_squeeze %dma_start3A_21 : memref<1x16xi32, #tpu.memory_space<vmem>> -> memref<16xi32, #tpu.memory_space<vmem>>
    %dma_start3A_23 = arith.constant 0 : i32
    %dma_start3A_24 = arith.constant 0 : i32
    %dma_start3A_25 = tpu.memref_slice %arg3[%dma_start3A_23, %dma_start3A_24] : memref<8192x1024xf32, #tpu.memory_space<hbm>> -> memref<8192x1024xf32, #tpu.memory_space<hbm>>
    tpu.enqueue_indirect_dma source(%dma_start3A_25 : memref<8192x1024xf32, #tpu.memory_space<hbm>>) target(%dma_start3A_19 : memref<16x1024xf32, #tpu.memory_space<vmem>>) offsets(%dma_start3A_22 : memref<16xi32, #tpu.memory_space<vmem>>) semaphore(%arg8 : memref<!tpu.dma_semaphore, #tpu.memory_space<semaphore_mem>>)
    %dma_start3A_26 = arith.constant 2 : i32
    %dma_start3A_27 = arith.constant 2 : i32
    %dma_start3A_28 = arith.constant 0 : i32
    %dma_start3A_29 = arith.constant 0 : i32
    %dma_start3A_30 = tpu.memref_slice %arg6[%dma_start3A_27, %dma_start3A_28, %dma_start3A_29] : memref<7x16x1024xf32, #tpu.memory_space<vmem>> -> memref<1x16x1024xf32, #tpu.memory_space<vmem>>
    %dma_start3A_31 = tpu.memref_squeeze %dma_start3A_30 : memref<1x16x1024xf32, #tpu.memory_space<vmem>> -> memref<16x1024xf32, #tpu.memory_space<vmem>>
    %dma_start3A_32 = arith.constant 0 : i32
    %dma_start3A_33 = tpu.memref_slice %arg5[%dma_start3A_26, %dma_start3A_32] : memref<16x16xi32, #tpu.memory_space<vmem>> -> memref<1x16xi32, #tpu.memory_space<vmem>>
    %dma_start3A_34 = tpu.memref_squeeze %dma_start3A_33 : memref<1x16xi32, #tpu.memory_space<vmem>> -> memref<16xi32, #tpu.memory_space<vmem>>
    %dma_start3A_35 = arith.constant 0 : i32
    %dma_start3A_36 = arith.constant 0 : i32
    %dma_start3A_37 = tpu.memref_slice %arg3[%dma_start3A_35, %dma_start3A_36] : memref<8192x1024xf32, #tpu.memory_space<hbm>> -> memref<8192x1024xf32, #tpu.memory_space<hbm>>
    tpu.enqueue_indirect_dma source(%dma_start3A_37 : memref<8192x1024xf32, #tpu.memory_space<hbm>>) target(%dma_start3A_31 : memref<16x1024xf32, #tpu.memory_space<vmem>>) offsets(%dma_start3A_34 : memref<16xi32, #tpu.memory_space<vmem>>) semaphore(%arg9 : memref<!tpu.dma_semaphore, #tpu.memory_space<semaphore_mem>>)
    %dma_start3A_38 = arith.constant 3 : i32
    %dma_start3A_39 = arith.constant 3 : i32
    %dma_start3A_40 = arith.constant 0 : i32
    %dma_start3A_41 = arith.constant 0 : i32
    %dma_start3A_42 = tpu.memref_slice %arg6[%dma_start3A_39, %dma_start3A_40, %dma_start3A_41] : memref<7x16x1024xf32, #tpu.memory_space<vmem>> -> memref<1x16x1024xf32, #tpu.memory_space<vmem>>
    %dma_start3A_43 = tpu.memref_squeeze %dma_start3A_42 : memref<1x16x1024xf32, #tpu.memory_space<vmem>> -> memref<16x1024xf32, #tpu.memory_space<vmem>>
    %dma_start3A_44 = arith.constant 0 : i32
    %dma_start3A_45 = tpu.memref_slice %arg5[%dma_start3A_38, %dma_start3A_44] : memref<16x16xi32, #tpu.memory_space<vmem>> -> memref<1x16xi32, #tpu.memory_space<vmem>>
    %dma_start3A_46 = tpu.memref_squeeze %dma_start3A_45 : memref<1x16xi32, #tpu.memory_space<vmem>> -> memref<16xi32, #tpu.memory_space<vmem>>
    %dma_start3A_47 = arith.constant 0 : i32
    %dma_start3A_48 = arith.constant 0 : i32
    %dma_start3A_49 = tpu.memref_slice %arg3[%dma_start3A_47, %dma_start3A_48] : memref<8192x1024xf32, #tpu.memory_space<hbm>> -> memref<8192x1024xf32, #tpu.memory_space<hbm>>
    tpu.enqueue_indirect_dma source(%dma_start3A_49 : memref<8192x1024xf32, #tpu.memory_space<hbm>>) target(%dma_start3A_43 : memref<16x1024xf32, #tpu.memory_space<vmem>>) offsets(%dma_start3A_46 : memref<16xi32, #tpu.memory_space<vmem>>) semaphore(%arg10 : memref<!tpu.dma_semaphore, #tpu.memory_space<semaphore_mem>>)
    %dma_start3A_50 = arith.constant 4 : i32
    %dma_start3A_51 = arith.constant 4 : i32
    %dma_start3A_52 = arith.constant 0 : i32
    %dma_start3A_53 = arith.constant 0 : i32
    %dma_start3A_54 = tpu.memref_slice %arg6[%dma_start3A_51, %dma_start3A_52, %dma_start3A_53] : memref<7x16x1024xf32, #tpu.memory_space<vmem>> -> memref<1x16x1024xf32, #tpu.memory_space<vmem>>
    %dma_start3A_55 = tpu.memref_squeeze %dma_start3A_54 : memref<1x16x1024xf32, #tpu.memory_space<vmem>> -> memref<16x1024xf32, #tpu.memory_space<vmem>>
    %dma_start3A_56 = arith.constant 0 : i32
    %dma_start3A_57 = tpu.memref_slice %arg5[%dma_start3A_50, %dma_start3A_56] : memref<16x16xi32, #tpu.memory_space<vmem>> -> memref<1x16xi32, #tpu.memory_space<vmem>>
    %dma_start3A_58 = tpu.memref_squeeze %dma_start3A_57 : memref<1x16xi32, #tpu.memory_space<vmem>> -> memref<16xi32, #tpu.memory_space<vmem>>
    %dma_start3A_59 = arith.constant 0 : i32
    %dma_start3A_60 = arith.constant 0 : i32
    %dma_start3A_61 = tpu.memref_slice %arg3[%dma_start3A_59, %dma_start3A_60] : memref<8192x1024xf32, #tpu.memory_space<hbm>> -> memref<8192x1024xf32, #tpu.memory_space<hbm>>
    tpu.enqueue_indirect_dma source(%dma_start3A_61 : memref<8192x1024xf32, #tpu.memory_space<hbm>>) target(%dma_start3A_55 : memref<16x1024xf32, #tpu.memory_space<vmem>>) offsets(%dma_start3A_58 : memref<16xi32, #tpu.memory_space<vmem>>) semaphore(%arg11 : memref<!tpu.dma_semaphore, #tpu.memory_space<semaphore_mem>>)
    %dma_start3A_62 = arith.constant 5 : i32
    %dma_start3A_63 = arith.constant 5 : i32
    %dma_start3A_64 = arith.constant 0 : i32
    %dma_start3A_65 = arith.constant 0 : i32
    %dma_start3A_66 = tpu.memref_slice %arg6[%dma_start3A_63, %dma_start3A_64, %dma_start3A_65] : memref<7x16x1024xf32, #tpu.memory_space<vmem>> -> memref<1x16x1024xf32, #tpu.memory_space<vmem>>
    %dma_start3A_67 = tpu.memref_squeeze %dma_start3A_66 : memref<1x16x1024xf32, #tpu.memory_space<vmem>> -> memref<16x1024xf32, #tpu.memory_space<vmem>>
    %dma_start3A_68 = arith.constant 0 : i32
    %dma_start3A_69 = tpu.memref_slice %arg5[%dma_start3A_62, %dma_start3A_68] : memref<16x16xi32, #tpu.memory_space<vmem>> -> memref<1x16xi32, #tpu.memory_space<vmem>>
    %dma_start3A_70 = tpu.memref_squeeze %dma_start3A_69 : memref<1x16xi32, #tpu.memory_space<vmem>> -> memref<16xi32, #tpu.memory_space<vmem>>
    %dma_start3A_71 = arith.constant 0 : i32
    %dma_start3A_72 = arith.constant 0 : i32
    %dma_start3A_73 = tpu.memref_slice %arg3[%dma_start3A_71, %dma_start3A_72] : memref<8192x1024xf32, #tpu.memory_space<hbm>> -> memref<8192x1024xf32, #tpu.memory_space<hbm>>
    tpu.enqueue_indirect_dma source(%dma_start3A_73 : memref<8192x1024xf32, #tpu.memory_space<hbm>>) target(%dma_start3A_67 : memref<16x1024xf32, #tpu.memory_space<vmem>>) offsets(%dma_start3A_70 : memref<16xi32, #tpu.memory_space<vmem>>) semaphore(%arg12 : memref<!tpu.dma_semaphore, #tpu.memory_space<semaphore_mem>>)
    %dma_start3A_74 = arith.constant 6 : i32
    %dma_start3A_75 = arith.constant 6 : i32
    %dma_start3A_76 = arith.constant 0 : i32
    %dma_start3A_77 = arith.constant 0 : i32
    %dma_start3A_78 = tpu.memref_slice %arg6[%dma_start3A_75, %dma_start3A_76, %dma_start3A_77] : memref<7x16x1024xf32, #tpu.memory_space<vmem>> -> memref<1x16x1024xf32, #tpu.memory_space<vmem>>
    %dma_start3A_79 = tpu.memref_squeeze %dma_start3A_78 : memref<1x16x1024xf32, #tpu.memory_space<vmem>> -> memref<16x1024xf32, #tpu.memory_space<vmem>>
    %dma_start3A_80 = arith.constant 0 : i32
    %dma_start3A_81 = tpu.memref_slice %arg5[%dma_start3A_74, %dma_start3A_80] : memref<16x16xi32, #tpu.memory_space<vmem>> -> memref<1x16xi32, #tpu.memory_space<vmem>>
    %dma_start3A_82 = tpu.memref_squeeze %dma_start3A_81 : memref<1x16xi32, #tpu.memory_space<vmem>> -> memref<16xi32, #tpu.memory_space<vmem>>
    %dma_start3A_83 = arith.constant 0 : i32
    %dma_start3A_84 = arith.constant 0 : i32
    %dma_start3A_85 = tpu.memref_slice %arg3[%dma_start3A_83, %dma_start3A_84] : memref<8192x1024xf32, #tpu.memory_space<hbm>> -> memref<8192x1024xf32, #tpu.memory_space<hbm>>
    tpu.enqueue_indirect_dma source(%dma_start3A_85 : memref<8192x1024xf32, #tpu.memory_space<hbm>>) target(%dma_start3A_79 : memref<16x1024xf32, #tpu.memory_space<vmem>>) offsets(%dma_start3A_82 : memref<16xi32, #tpu.memory_space<vmem>>) semaphore(%arg13 : memref<!tpu.dma_semaphore, #tpu.memory_space<semaphore_mem>>)
    %dma_wait3A = arith.constant 0 : i32
    %dma_wait3A_86 = arith.constant 0 : i32
    %dma_wait3A_87 = arith.constant 0 : i32
    %dma_wait3A_88 = arith.constant 0 : i32
    %dma_wait3A_89 = tpu.memref_slice %arg6[%dma_wait3A_86, %dma_wait3A_87, %dma_wait3A_88] : memref<7x16x1024xf32, #tpu.memory_space<vmem>> -> memref<1x16x1024xf32, #tpu.memory_space<vmem>>
    %dma_wait3A_90 = tpu.memref_squeeze %dma_wait3A_89 : memref<1x16x1024xf32, #tpu.memory_space<vmem>> -> memref<16x1024xf32, #tpu.memory_space<vmem>>
    %dma_wait3A_91 = arith.constant 0 : i32
    %dma_wait3A_92 = tpu.memref_slice %arg5[%dma_wait3A, %dma_wait3A_91] : memref<16x16xi32, #tpu.memory_space<vmem>> -> memref<1x16xi32, #tpu.memory_space<vmem>>
    %dma_wait3A_93 = tpu.memref_squeeze %dma_wait3A_92 : memref<1x16xi32, #tpu.memory_space<vmem>> -> memref<16xi32, #tpu.memory_space<vmem>>
    %dma_wait3A_94 = arith.constant 0 : i32
    %dma_wait3A_95 = arith.constant 0 : i32
    %dma_wait3A_96 = tpu.memref_slice %arg3[%dma_wait3A_94, %dma_wait3A_95] : memref<8192x1024xf32, #tpu.memory_space<hbm>> -> memref<8192x1024xf32, #tpu.memory_space<hbm>>
    tpu.wait_indirect_dma semaphore(%arg7 : memref<!tpu.dma_semaphore, #tpu.memory_space<semaphore_mem>>) src(%dma_wait3A_96 : memref<8192x1024xf32, #tpu.memory_space<hbm>>) dst(%dma_wait3A_90 : memref<16x1024xf32, #tpu.memory_space<vmem>>)
    %add3A_97 = arith.constant 0 : i32
    %add3A_98 = arith.addi %mul3A_2, %add3A_97 : i32
    %dma_start3A_99 = arith.constant 0 : i32
    %dma_start3A_100 = arith.constant 0 : i32
    %dma_start3A_101 = arith.constant 0 : i32
    %dma_start3A_102 = tpu.memref_slice %arg6[%dma_start3A_99, %dma_start3A_100, %dma_start3A_101] : memref<7x16x1024xf32, #tpu.memory_space<vmem>> -> memref<1x16x1024xf32, #tpu.memory_space<vmem>>
    %dma_start3A_103 = tpu.memref_squeeze %dma_start3A_102 : memref<1x16x1024xf32, #tpu.memory_space<vmem>> -> memref<16x1024xf32, #tpu.memory_space<vmem>>
    %dma_start3A_104 = arith.constant 0 : i32
    %dma_start3A_105 = tpu.memref_slice %arg4[%add3A_98, %dma_start3A_104] : memref<8192x1024xf32, #tpu.memory_space<hbm>> -> memref<16x1024xf32, #tpu.memory_space<hbm>>
    %dma_start3A_106 = arith.constant 0 : i32
    %dma_start3A_107 = tpu.memref_slice %arg4[%add3A_98, %dma_start3A_106] : memref<8192x1024xf32, #tpu.memory_space<hbm>> -> memref<16x1024xf32, #tpu.memory_space<hbm>>
    %dma_start3A_108 = arith.constant 0 : i32
    %dma_start3A_109 = arith.constant 0 : i32
    %dma_start3A_110 = tpu.memref_slice %arg6[%dma_start3A_99, %dma_start3A_108, %dma_start3A_109] : memref<7x16x1024xf32, #tpu.memory_space<vmem>> -> memref<1x16x1024xf32, #tpu.memory_space<vmem>>
    %dma_start3A_111 = tpu.memref_squeeze %dma_start3A_110 : memref<1x16x1024xf32, #tpu.memory_space<vmem>> -> memref<16x1024xf32, #tpu.memory_space<vmem>>
    tpu.enqueue_dma source(%dma_start3A_111 : memref<16x1024xf32, #tpu.memory_space<vmem>>) target(%dma_start3A_107 : memref<16x1024xf32, #tpu.memory_space<hbm>>) target_semaphore(%arg14 : memref<!tpu.dma_semaphore, #tpu.memory_space<semaphore_mem>>)
    %dma_wait3A_112 = arith.constant 0 : i32
    %dma_wait3A_113 = arith.constant 0 : i32
    %dma_wait3A_114 = arith.constant 0 : i32
    %dma_wait3A_115 = tpu.memref_slice %arg6[%dma_wait3A_112, %dma_wait3A_113, %dma_wait3A_114] : memref<7x16x1024xf32, #tpu.memory_space<vmem>> -> memref<1x16x1024xf32, #tpu.memory_space<vmem>>
    %dma_wait3A_116 = tpu.memref_squeeze %dma_wait3A_115 : memref<1x16x1024xf32, #tpu.memory_space<vmem>> -> memref<16x1024xf32, #tpu.memory_space<vmem>>
    %dma_wait3A_117 = arith.constant 0 : i32
    %dma_wait3A_118 = tpu.memref_slice %arg4[%add3A_98, %dma_wait3A_117] : memref<8192x1024xf32, #tpu.memory_space<hbm>> -> memref<16x1024xf32, #tpu.memory_space<hbm>>
    %dma_wait3A_119 = arith.constant 0 : i32
    %dma_wait3A_120 = tpu.memref_slice %arg4[%add3A_98, %dma_wait3A_119] : memref<8192x1024xf32, #tpu.memory_space<hbm>> -> memref<16x1024xf32, #tpu.memory_space<hbm>>
    %dma_wait3A_121 = arith.constant 0 : i32
    %dma_wait3A_122 = arith.constant 0 : i32
    %dma_wait3A_123 = tpu.memref_slice %arg6[%dma_wait3A_112, %dma_wait3A_121, %dma_wait3A_122] : memref<7x16x1024xf32, #tpu.memory_space<vmem>> -> memref<1x16x1024xf32, #tpu.memory_space<vmem>>
    %dma_wait3A_124 = tpu.memref_squeeze %dma_wait3A_123 : memref<1x16x1024xf32, #tpu.memory_space<vmem>> -> memref<16x1024xf32, #tpu.memory_space<vmem>>
    tpu.wait_dma2 semaphore(%arg14 : memref<!tpu.dma_semaphore, #tpu.memory_space<semaphore_mem>>) src(%dma_wait3A_124 : memref<16x1024xf32, #tpu.memory_space<vmem>>) dst(%dma_wait3A_120 : memref<16x1024xf32, #tpu.memory_space<hbm>>)
    %dma_start3A_125 = arith.constant 7 : i32
    %dma_start3A_126 = arith.constant 0 : i32
    %dma_start3A_127 = arith.constant 0 : i32
    %dma_start3A_128 = arith.constant 0 : i32
    %dma_start3A_129 = tpu.memref_slice %arg6[%dma_start3A_126, %dma_start3A_127, %dma_start3A_128] : memref<7x16x1024xf32, #tpu.memory_space<vmem>> -> memref<1x16x1024xf32, #tpu.memory_space<vmem>>
    %dma_start3A_130 = tpu.memref_squeeze %dma_start3A_129 : memref<1x16x1024xf32, #tpu.memory_space<vmem>> -> memref<16x1024xf32, #tpu.memory_space<vmem>>
    %dma_start3A_131 = arith.constant 0 : i32
    %dma_start3A_132 = tpu.memref_slice %arg5[%dma_start3A_125, %dma_start3A_131] : memref<16x16xi32, #tpu.memory_space<vmem>> -> memref<1x16xi32, #tpu.memory_space<vmem>>
    %dma_start3A_133 = tpu.memref_squeeze %dma_start3A_132 : memref<1x16xi32, #tpu.memory_space<vmem>> -> memref<16xi32, #tpu.memory_space<vmem>>
    %dma_start3A_134 = arith.constant 0 : i32
    %dma_start3A_135 = arith.constant 0 : i32
    %dma_start3A_136 = tpu.memref_slice %arg3[%dma_start3A_134, %dma_start3A_135] : memref<8192x1024xf32, #tpu.memory_space<hbm>> -> memref<8192x1024xf32, #tpu.memory_space<hbm>>
    tpu.enqueue_indirect_dma source(%dma_start3A_136 : memref<8192x1024xf32, #tpu.memory_space<hbm>>) target(%dma_start3A_130 : memref<16x1024xf32, #tpu.memory_space<vmem>>) offsets(%dma_start3A_133 : memref<16xi32, #tpu.memory_space<vmem>>) semaphore(%arg7 : memref<!tpu.dma_semaphore, #tpu.memory_space<semaphore_mem>>)
    %dma_wait3A_137 = arith.constant 1 : i32
    %dma_wait3A_138 = arith.constant 1 : i32
    %dma_wait3A_139 = arith.constant 0 : i32
    %dma_wait3A_140 = arith.constant 0 : i32
    %dma_wait3A_141 = tpu.memref_slice %arg6[%dma_wait3A_138, %dma_wait3A_139, %dma_wait3A_140] : memref<7x16x1024xf32, #tpu.memory_space<vmem>> -> memref<1x16x1024xf32, #tpu.memory_space<vmem>>
    %dma_wait3A_142 = tpu.memref_squeeze %dma_wait3A_141 : memref<1x16x1024xf32, #tpu.memory_space<vmem>> -> memref<16x1024xf32, #tpu.memory_space<vmem>>
    %dma_wait3A_143 = arith.constant 0 : i32
    %dma_wait3A_144 = tpu.memref_slice %arg5[%dma_wait3A_137, %dma_wait3A_143] : memref<16x16xi32, #tpu.memory_space<vmem>> -> memref<1x16xi32, #tpu.memory_space<vmem>>
    %dma_wait3A_145 = tpu.memref_squeeze %dma_wait3A_144 : memref<1x16xi32, #tpu.memory_space<vmem>> -> memref<16xi32, #tpu.memory_space<vmem>>
    %dma_wait3A_146 = arith.constant 0 : i32
    %dma_wait3A_147 = arith.constant 0 : i32
    %dma_wait3A_148 = tpu.memref_slice %arg3[%dma_wait3A_146, %dma_wait3A_147] : memref<8192x1024xf32, #tpu.memory_space<hbm>> -> memref<8192x1024xf32, #tpu.memory_space<hbm>>
    tpu.wait_indirect_dma semaphore(%arg8 : memref<!tpu.dma_semaphore, #tpu.memory_space<semaphore_mem>>) src(%dma_wait3A_148 : memref<8192x1024xf32, #tpu.memory_space<hbm>>) dst(%dma_wait3A_142 : memref<16x1024xf32, #tpu.memory_space<vmem>>)
    %add3A_149 = arith.constant 16 : i32
    %add3A_150 = arith.addi %mul3A_2, %add3A_149 : i32
    %dma_start3A_151 = arith.constant 1 : i32
    %dma_start3A_152 = arith.constant 0 : i32
    %dma_start3A_153 = arith.constant 0 : i32
    %dma_start3A_154 = tpu.memref_slice %arg6[%dma_start3A_151, %dma_start3A_152, %dma_start3A_153] : memref<7x16x1024xf32, #tpu.memory_space<vmem>> -> memref<1x16x1024xf32, #tpu.memory_space<vmem>>
    %dma_start3A_155 = tpu.memref_squeeze %dma_start3A_154 : memref<1x16x1024xf32, #tpu.memory_space<vmem>> -> memref<16x1024xf32, #tpu.memory_space<vmem>>
    %dma_start3A_156 = arith.constant 0 : i32
    %dma_start3A_157 = tpu.memref_slice %arg4[%add3A_150, %dma_start3A_156] : memref<8192x1024xf32, #tpu.memory_space<hbm>> -> memref<16x1024xf32, #tpu.memory_space<hbm>>
    %dma_start3A_158 = arith.constant 0 : i32
    %dma_start3A_159 = tpu.memref_slice %arg4[%add3A_150, %dma_start3A_158] : memref<8192x1024xf32, #tpu.memory_space<hbm>> -> memref<16x1024xf32, #tpu.memory_space<hbm>>
    %dma_start3A_160 = arith.constant 0 : i32
    %dma_start3A_161 = arith.constant 0 : i32
    %dma_start3A_162 = tpu.memref_slice %arg6[%dma_start3A_151, %dma_start3A_160, %dma_start3A_161] : memref<7x16x1024xf32, #tpu.memory_space<vmem>> -> memref<1x16x1024xf32, #tpu.memory_space<vmem>>
    %dma_start3A_163 = tpu.memref_squeeze %dma_start3A_162 : memref<1x16x1024xf32, #tpu.memory_space<vmem>> -> memref<16x1024xf32, #tpu.memory_space<vmem>>
    tpu.enqueue_dma source(%dma_start3A_163 : memref<16x1024xf32, #tpu.memory_space<vmem>>) target(%dma_start3A_159 : memref<16x1024xf32, #tpu.memory_space<hbm>>) target_semaphore(%arg15 : memref<!tpu.dma_semaphore, #tpu.memory_space<semaphore_mem>>)
    %dma_wait3A_164 = arith.constant 1 : i32
    %dma_wait3A_165 = arith.constant 0 : i32
    %dma_wait3A_166 = arith.constant 0 : i32
    %dma_wait3A_167 = tpu.memref_slice %arg6[%dma_wait3A_164, %dma_wait3A_165, %dma_wait3A_166] : memref<7x16x1024xf32, #tpu.memory_space<vmem>> -> memref<1x16x1024xf32, #tpu.memory_space<vmem>>
    %dma_wait3A_168 = tpu.memref_squeeze %dma_wait3A_167 : memref<1x16x1024xf32, #tpu.memory_space<vmem>> -> memref<16x1024xf32, #tpu.memory_space<vmem>>
    %dma_wait3A_169 = arith.constant 0 : i32
    %dma_wait3A_170 = tpu.memref_slice %arg4[%add3A_150, %dma_wait3A_169] : memref<8192x1024xf32, #tpu.memory_space<hbm>> -> memref<16x1024xf32, #tpu.memory_space<hbm>>
    %dma_wait3A_171 = arith.constant 0 : i32
    %dma_wait3A_172 = tpu.memref_slice %arg4[%add3A_150, %dma_wait3A_171] : memref<8192x1024xf32, #tpu.memory_space<hbm>> -> memref<16x1024xf32, #tpu.memory_space<hbm>>
    %dma_wait3A_173 = arith.constant 0 : i32
    %dma_wait3A_174 = arith.constant 0 : i32
    %dma_wait3A_175 = tpu.memref_slice %arg6[%dma_wait3A_164, %dma_wait3A_173, %dma_wait3A_174] : memref<7x16x1024xf32, #tpu.memory_space<vmem>> -> memref<1x16x1024xf32, #tpu.memory_space<vmem>>
    %dma_wait3A_176 = tpu.memref_squeeze %dma_wait3A_175 : memref<1x16x1024xf32, #tpu.memory_space<vmem>> -> memref<16x1024xf32, #tpu.memory_space<vmem>>
    tpu.wait_dma2 semaphore(%arg15 : memref<!tpu.dma_semaphore, #tpu.memory_space<semaphore_mem>>) src(%dma_wait3A_176 : memref<16x1024xf32, #tpu.memory_space<vmem>>) dst(%dma_wait3A_172 : memref<16x1024xf32, #tpu.memory_space<hbm>>)
    %dma_start3A_177 = arith.constant 8 : i32
    %dma_start3A_178 = arith.constant 1 : i32
    %dma_start3A_179 = arith.constant 0 : i32
    %dma_start3A_180 = arith.constant 0 : i32
    %dma_start3A_181 = tpu.memref_slice %arg6[%dma_start3A_178, %dma_start3A_179, %dma_start3A_180] : memref<7x16x1024xf32, #tpu.memory_space<vmem>> -> memref<1x16x1024xf32, #tpu.memory_space<vmem>>
    %dma_start3A_182 = tpu.memref_squeeze %dma_start3A_181 : memref<1x16x1024xf32, #tpu.memory_space<vmem>> -> memref<16x1024xf32, #tpu.memory_space<vmem>>
    %dma_start3A_183 = arith.constant 0 : i32
    %dma_start3A_184 = tpu.memref_slice %arg5[%dma_start3A_177, %dma_start3A_183] : memref<16x16xi32, #tpu.memory_space<vmem>> -> memref<1x16xi32, #tpu.memory_space<vmem>>
    %dma_start3A_185 = tpu.memref_squeeze %dma_start3A_184 : memref<1x16xi32, #tpu.memory_space<vmem>> -> memref<16xi32, #tpu.memory_space<vmem>>
    %dma_start3A_186 = arith.constant 0 : i32
    %dma_start3A_187 = arith.constant 0 : i32
    %dma_start3A_188 = tpu.memref_slice %arg3[%dma_start3A_186, %dma_start3A_187] : memref<8192x1024xf32, #tpu.memory_space<hbm>> -> memref<8192x1024xf32, #tpu.memory_space<hbm>>
    tpu.enqueue_indirect_dma source(%dma_start3A_188 : memref<8192x1024xf32, #tpu.memory_space<hbm>>) target(%dma_start3A_182 : memref<16x1024xf32, #tpu.memory_space<vmem>>) offsets(%dma_start3A_185 : memref<16xi32, #tpu.memory_space<vmem>>) semaphore(%arg8 : memref<!tpu.dma_semaphore, #tpu.memory_space<semaphore_mem>>)
    %dma_wait3A_189 = arith.constant 2 : i32
    %dma_wait3A_190 = arith.constant 2 : i32
    %dma_wait3A_191 = arith.constant 0 : i32
    %dma_wait3A_192 = arith.constant 0 : i32
    %dma_wait3A_193 = tpu.memref_slice %arg6[%dma_wait3A_190, %dma_wait3A_191, %dma_wait3A_192] : memref<7x16x1024xf32, #tpu.memory_space<vmem>> -> memref<1x16x1024xf32, #tpu.memory_space<vmem>>
    %dma_wait3A_194 = tpu.memref_squeeze %dma_wait3A_193 : memref<1x16x1024xf32, #tpu.memory_space<vmem>> -> memref<16x1024xf32, #tpu.memory_space<vmem>>
    %dma_wait3A_195 = arith.constant 0 : i32
    %dma_wait3A_196 = tpu.memref_slice %arg5[%dma_wait3A_189, %dma_wait3A_195] : memref<16x16xi32, #tpu.memory_space<vmem>> -> memref<1x16xi32, #tpu.memory_space<vmem>>
    %dma_wait3A_197 = tpu.memref_squeeze %dma_wait3A_196 : memref<1x16xi32, #tpu.memory_space<vmem>> -> memref<16xi32, #tpu.memory_space<vmem>>
    %dma_wait3A_198 = arith.constant 0 : i32
    %dma_wait3A_199 = arith.constant 0 : i32
    %dma_wait3A_200 = tpu.memref_slice %arg3[%dma_wait3A_198, %dma_wait3A_199] : memref<8192x1024xf32, #tpu.memory_space<hbm>> -> memref<8192x1024xf32, #tpu.memory_space<hbm>>
    tpu.wait_indirect_dma semaphore(%arg9 : memref<!tpu.dma_semaphore, #tpu.memory_space<semaphore_mem>>) src(%dma_wait3A_200 : memref<8192x1024xf32, #tpu.memory_space<hbm>>) dst(%dma_wait3A_194 : memref<16x1024xf32, #tpu.memory_space<vmem>>)
    %add3A_201 = arith.constant 32 : i32
    %add3A_202 = arith.addi %mul3A_2, %add3A_201 : i32
    %dma_start3A_203 = arith.constant 2 : i32
    %dma_start3A_204 = arith.constant 0 : i32
    %dma_start3A_205 = arith.constant 0 : i32
    %dma_start3A_206 = tpu.memref_slice %arg6[%dma_start3A_203, %dma_start3A_204, %dma_start3A_205] : memref<7x16x1024xf32, #tpu.memory_space<vmem>> -> memref<1x16x1024xf32, #tpu.memory_space<vmem>>
    %dma_start3A_207 = tpu.memref_squeeze %dma_start3A_206 : memref<1x16x1024xf32, #tpu.memory_space<vmem>> -> memref<16x1024xf32, #tpu.memory_space<vmem>>
    %dma_start3A_208 = arith.constant 0 : i32
    %dma_start3A_209 = tpu.memref_slice %arg4[%add3A_202, %dma_start3A_208] : memref<8192x1024xf32, #tpu.memory_space<hbm>> -> memref<16x1024xf32, #tpu.memory_space<hbm>>
    %dma_start3A_210 = arith.constant 0 : i32
    %dma_start3A_211 = tpu.memref_slice %arg4[%add3A_202, %dma_start3A_210] : memref<8192x1024xf32, #tpu.memory_space<hbm>> -> memref<16x1024xf32, #tpu.memory_space<hbm>>
    %dma_start3A_212 = arith.constant 0 : i32
    %dma_start3A_213 = arith.constant 0 : i32
    %dma_start3A_214 = tpu.memref_slice %arg6[%dma_start3A_203, %dma_start3A_212, %dma_start3A_213] : memref<7x16x1024xf32, #tpu.memory_space<vmem>> -> memref<1x16x1024xf32, #tpu.memory_space<vmem>>
    %dma_start3A_215 = tpu.memref_squeeze %dma_start3A_214 : memref<1x16x1024xf32, #tpu.memory_space<vmem>> -> memref<16x1024xf32, #tpu.memory_space<vmem>>
    tpu.enqueue_dma source(%dma_start3A_215 : memref<16x1024xf32, #tpu.memory_space<vmem>>) target(%dma_start3A_211 : memref<16x1024xf32, #tpu.memory_space<hbm>>) target_semaphore(%arg16 : memref<!tpu.dma_semaphore, #tpu.memory_space<semaphore_mem>>)
    %dma_wait3A_216 = arith.constant 2 : i32
    %dma_wait3A_217 = arith.constant 0 : i32
    %dma_wait3A_218 = arith.constant 0 : i32
    %dma_wait3A_219 = tpu.memref_slice %arg6[%dma_wait3A_216, %dma_wait3A_217, %dma_wait3A_218] : memref<7x16x1024xf32, #tpu.memory_space<vmem>> -> memref<1x16x1024xf32, #tpu.memory_space<vmem>>
    %dma_wait3A_220 = tpu.memref_squeeze %dma_wait3A_219 : memref<1x16x1024xf32, #tpu.memory_space<vmem>> -> memref<16x1024xf32, #tpu.memory_space<vmem>>
    %dma_wait3A_221 = arith.constant 0 : i32
    %dma_wait3A_222 = tpu.memref_slice %arg4[%add3A_202, %dma_wait3A_221] : memref<8192x1024xf32, #tpu.memory_space<hbm>> -> memref<16x1024xf32, #tpu.memory_space<hbm>>
    %dma_wait3A_223 = arith.constant 0 : i32
    %dma_wait3A_224 = tpu.memref_slice %arg4[%add3A_202, %dma_wait3A_223] : memref<8192x1024xf32, #tpu.memory_space<hbm>> -> memref<16x1024xf32, #tpu.memory_space<hbm>>
    %dma_wait3A_225 = arith.constant 0 : i32
    %dma_wait3A_226 = arith.constant 0 : i32
    %dma_wait3A_227 = tpu.memref_slice %arg6[%dma_wait3A_216, %dma_wait3A_225, %dma_wait3A_226] : memref<7x16x1024xf32, #tpu.memory_space<vmem>> -> memref<1x16x1024xf32, #tpu.memory_space<vmem>>
    %dma_wait3A_228 = tpu.memref_squeeze %dma_wait3A_227 : memref<1x16x1024xf32, #tpu.memory_space<vmem>> -> memref<16x1024xf32, #tpu.memory_space<vmem>>
    tpu.wait_dma2 semaphore(%arg16 : memref<!tpu.dma_semaphore, #tpu.memory_space<semaphore_mem>>) src(%dma_wait3A_228 : memref<16x1024xf32, #tpu.memory_space<vmem>>) dst(%dma_wait3A_224 : memref<16x1024xf32, #tpu.memory_space<hbm>>)
    %dma_start3A_229 = arith.constant 9 : i32
    %dma_start3A_230 = arith.constant 2 : i32
    %dma_start3A_231 = arith.constant 0 : i32
    %dma_start3A_232 = arith.constant 0 : i32
    %dma_start3A_233 = tpu.memref_slice %arg6[%dma_start3A_230, %dma_start3A_231, %dma_start3A_232] : memref<7x16x1024xf32, #tpu.memory_space<vmem>> -> memref<1x16x1024xf32, #tpu.memory_space<vmem>>
    %dma_start3A_234 = tpu.memref_squeeze %dma_start3A_233 : memref<1x16x1024xf32, #tpu.memory_space<vmem>> -> memref<16x1024xf32, #tpu.memory_space<vmem>>
    %dma_start3A_235 = arith.constant 0 : i32
    %dma_start3A_236 = tpu.memref_slice %arg5[%dma_start3A_229, %dma_start3A_235] : memref<16x16xi32, #tpu.memory_space<vmem>> -> memref<1x16xi32, #tpu.memory_space<vmem>>
    %dma_start3A_237 = tpu.memref_squeeze %dma_start3A_236 : memref<1x16xi32, #tpu.memory_space<vmem>> -> memref<16xi32, #tpu.memory_space<vmem>>
    %dma_start3A_238 = arith.constant 0 : i32
    %dma_start3A_239 = arith.constant 0 : i32
    %dma_start3A_240 = tpu.memref_slice %arg3[%dma_start3A_238, %dma_start3A_239] : memref<8192x1024xf32, #tpu.memory_space<hbm>> -> memref<8192x1024xf32, #tpu.memory_space<hbm>>
    tpu.enqueue_indirect_dma source(%dma_start3A_240 : memref<8192x1024xf32, #tpu.memory_space<hbm>>) target(%dma_start3A_234 : memref<16x1024xf32, #tpu.memory_space<vmem>>) offsets(%dma_start3A_237 : memref<16xi32, #tpu.memory_space<vmem>>) semaphore(%arg9 : memref<!tpu.dma_semaphore, #tpu.memory_space<semaphore_mem>>)
    %dma_wait3A_241 = arith.constant 3 : i32
    %dma_wait3A_242 = arith.constant 3 : i32
    %dma_wait3A_243 = arith.constant 0 : i32
    %dma_wait3A_244 = arith.constant 0 : i32
    %dma_wait3A_245 = tpu.memref_slice %arg6[%dma_wait3A_242, %dma_wait3A_243, %dma_wait3A_244] : memref<7x16x1024xf32, #tpu.memory_space<vmem>> -> memref<1x16x1024xf32, #tpu.memory_space<vmem>>
    %dma_wait3A_246 = tpu.memref_squeeze %dma_wait3A_245 : memref<1x16x1024xf32, #tpu.memory_space<vmem>> -> memref<16x1024xf32, #tpu.memory_space<vmem>>
    %dma_wait3A_247 = arith.constant 0 : i32
    %dma_wait3A_248 = tpu.memref_slice %arg5[%dma_wait3A_241, %dma_wait3A_247] : memref<16x16xi32, #tpu.memory_space<vmem>> -> memref<1x16xi32, #tpu.memory_space<vmem>>
    %dma_wait3A_249 = tpu.memref_squeeze %dma_wait3A_248 : memref<1x16xi32, #tpu.memory_space<vmem>> -> memref<16xi32, #tpu.memory_space<vmem>>
    %dma_wait3A_250 = arith.constant 0 : i32
    %dma_wait3A_251 = arith.constant 0 : i32
    %dma_wait3A_252 = tpu.memref_slice %arg3[%dma_wait3A_250, %dma_wait3A_251] : memref<8192x1024xf32, #tpu.memory_space<hbm>> -> memref<8192x1024xf32, #tpu.memory_space<hbm>>
    tpu.wait_indirect_dma semaphore(%arg10 : memref<!tpu.dma_semaphore, #tpu.memory_space<semaphore_mem>>) src(%dma_wait3A_252 : memref<8192x1024xf32, #tpu.memory_space<hbm>>) dst(%dma_wait3A_246 : memref<16x1024xf32, #tpu.memory_space<vmem>>)
    %add3A_253 = arith.constant 48 : i32
    %add3A_254 = arith.addi %mul3A_2, %add3A_253 : i32
    %dma_start3A_255 = arith.constant 3 : i32
    %dma_start3A_256 = arith.constant 0 : i32
    %dma_start3A_257 = arith.constant 0 : i32
    %dma_start3A_258 = tpu.memref_slice %arg6[%dma_start3A_255, %dma_start3A_256, %dma_start3A_257] : memref<7x16x1024xf32, #tpu.memory_space<vmem>> -> memref<1x16x1024xf32, #tpu.memory_space<vmem>>
    %dma_start3A_259 = tpu.memref_squeeze %dma_start3A_258 : memref<1x16x1024xf32, #tpu.memory_space<vmem>> -> memref<16x1024xf32, #tpu.memory_space<vmem>>
    %dma_start3A_260 = arith.constant 0 : i32
    %dma_start3A_261 = tpu.memref_slice %arg4[%add3A_254, %dma_start3A_260] : memref<8192x1024xf32, #tpu.memory_space<hbm>> -> memref<16x1024xf32, #tpu.memory_space<hbm>>
    %dma_start3A_262 = arith.constant 0 : i32
    %dma_start3A_263 = tpu.memref_slice %arg4[%add3A_254, %dma_start3A_262] : memref<8192x1024xf32, #tpu.memory_space<hbm>> -> memref<16x1024xf32, #tpu.memory_space<hbm>>
    %dma_start3A_264 = arith.constant 0 : i32
    %dma_start3A_265 = arith.constant 0 : i32
    %dma_start3A_266 = tpu.memref_slice %arg6[%dma_start3A_255, %dma_start3A_264, %dma_start3A_265] : memref<7x16x1024xf32, #tpu.memory_space<vmem>> -> memref<1x16x1024xf32, #tpu.memory_space<vmem>>
    %dma_start3A_267 = tpu.memref_squeeze %dma_start3A_266 : memref<1x16x1024xf32, #tpu.memory_space<vmem>> -> memref<16x1024xf32, #tpu.memory_space<vmem>>
    tpu.enqueue_dma source(%dma_start3A_267 : memref<16x1024xf32, #tpu.memory_space<vmem>>) target(%dma_start3A_263 : memref<16x1024xf32, #tpu.memory_space<hbm>>) target_semaphore(%arg17 : memref<!tpu.dma_semaphore, #tpu.memory_space<semaphore_mem>>)
    %dma_wait3A_268 = arith.constant 3 : i32
    %dma_wait3A_269 = arith.constant 0 : i32
    %dma_wait3A_270 = arith.constant 0 : i32
    %dma_wait3A_271 = tpu.memref_slice %arg6[%dma_wait3A_268, %dma_wait3A_269, %dma_wait3A_270] : memref<7x16x1024xf32, #tpu.memory_space<vmem>> -> memref<1x16x1024xf32, #tpu.memory_space<vmem>>
    %dma_wait3A_272 = tpu.memref_squeeze %dma_wait3A_271 : memref<1x16x1024xf32, #tpu.memory_space<vmem>> -> memref<16x1024xf32, #tpu.memory_space<vmem>>
    %dma_wait3A_273 = arith.constant 0 : i32
    %dma_wait3A_274 = tpu.memref_slice %arg4[%add3A_254, %dma_wait3A_273] : memref<8192x1024xf32, #tpu.memory_space<hbm>> -> memref<16x1024xf32, #tpu.memory_space<hbm>>
    %dma_wait3A_275 = arith.constant 0 : i32
    %dma_wait3A_276 = tpu.memref_slice %arg4[%add3A_254, %dma_wait3A_275] : memref<8192x1024xf32, #tpu.memory_space<hbm>> -> memref<16x1024xf32, #tpu.memory_space<hbm>>
    %dma_wait3A_277 = arith.constant 0 : i32
    %dma_wait3A_278 = arith.constant 0 : i32
    %dma_wait3A_279 = tpu.memref_slice %arg6[%dma_wait3A_268, %dma_wait3A_277, %dma_wait3A_278] : memref<7x16x1024xf32, #tpu.memory_space<vmem>> -> memref<1x16x1024xf32, #tpu.memory_space<vmem>>
    %dma_wait3A_280 = tpu.memref_squeeze %dma_wait3A_279 : memref<1x16x1024xf32, #tpu.memory_space<vmem>> -> memref<16x1024xf32, #tpu.memory_space<vmem>>
    tpu.wait_dma2 semaphore(%arg17 : memref<!tpu.dma_semaphore, #tpu.memory_space<semaphore_mem>>) src(%dma_wait3A_280 : memref<16x1024xf32, #tpu.memory_space<vmem>>) dst(%dma_wait3A_276 : memref<16x1024xf32, #tpu.memory_space<hbm>>)
    %dma_start3A_281 = arith.constant 10 : i32
    %dma_start3A_282 = arith.constant 3 : i32
    %dma_start3A_283 = arith.constant 0 : i32
    %dma_start3A_284 = arith.constant 0 : i32
    %dma_start3A_285 = tpu.memref_slice %arg6[%dma_start3A_282, %dma_start3A_283, %dma_start3A_284] : memref<7x16x1024xf32, #tpu.memory_space<vmem>> -> memref<1x16x1024xf32, #tpu.memory_space<vmem>>
    %dma_start3A_286 = tpu.memref_squeeze %dma_start3A_285 : memref<1x16x1024xf32, #tpu.memory_space<vmem>> -> memref<16x1024xf32, #tpu.memory_space<vmem>>
    %dma_start3A_287 = arith.constant 0 : i32
    %dma_start3A_288 = tpu.memref_slice %arg5[%dma_start3A_281, %dma_start3A_287] : memref<16x16xi32, #tpu.memory_space<vmem>> -> memref<1x16xi32, #tpu.memory_space<vmem>>
    %dma_start3A_289 = tpu.memref_squeeze %dma_start3A_288 : memref<1x16xi32, #tpu.memory_space<vmem>> -> memref<16xi32, #tpu.memory_space<vmem>>
    %dma_start3A_290 = arith.constant 0 : i32
    %dma_start3A_291 = arith.constant 0 : i32
    %dma_start3A_292 = tpu.memref_slice %arg3[%dma_start3A_290, %dma_start3A_291] : memref<8192x1024xf32, #tpu.memory_space<hbm>> -> memref<8192x1024xf32, #tpu.memory_space<hbm>>
    tpu.enqueue_indirect_dma source(%dma_start3A_292 : memref<8192x1024xf32, #tpu.memory_space<hbm>>) target(%dma_start3A_286 : memref<16x1024xf32, #tpu.memory_space<vmem>>) offsets(%dma_start3A_289 : memref<16xi32, #tpu.memory_space<vmem>>) semaphore(%arg10 : memref<!tpu.dma_semaphore, #tpu.memory_space<semaphore_mem>>)
    %dma_wait3A_293 = arith.constant 4 : i32
    %dma_wait3A_294 = arith.constant 4 : i32
    %dma_wait3A_295 = arith.constant 0 : i32
    %dma_wait3A_296 = arith.constant 0 : i32
    %dma_wait3A_297 = tpu.memref_slice %arg6[%dma_wait3A_294, %dma_wait3A_295, %dma_wait3A_296] : memref<7x16x1024xf32, #tpu.memory_space<vmem>> -> memref<1x16x1024xf32, #tpu.memory_space<vmem>>
    %dma_wait3A_298 = tpu.memref_squeeze %dma_wait3A_297 : memref<1x16x1024xf32, #tpu.memory_space<vmem>> -> memref<16x1024xf32, #tpu.memory_space<vmem>>
    %dma_wait3A_299 = arith.constant 0 : i32
    %dma_wait3A_300 = tpu.memref_slice %arg5[%dma_wait3A_293, %dma_wait3A_299] : memref<16x16xi32, #tpu.memory_space<vmem>> -> memref<1x16xi32, #tpu.memory_space<vmem>>
    %dma_wait3A_301 = tpu.memref_squeeze %dma_wait3A_300 : memref<1x16xi32, #tpu.memory_space<vmem>> -> memref<16xi32, #tpu.memory_space<vmem>>
    %dma_wait3A_302 = arith.constant 0 : i32
    %dma_wait3A_303 = arith.constant 0 : i32
    %dma_wait3A_304 = tpu.memref_slice %arg3[%dma_wait3A_302, %dma_wait3A_303] : memref<8192x1024xf32, #tpu.memory_space<hbm>> -> memref<8192x1024xf32, #tpu.memory_space<hbm>>
    tpu.wait_indirect_dma semaphore(%arg11 : memref<!tpu.dma_semaphore, #tpu.memory_space<semaphore_mem>>) src(%dma_wait3A_304 : memref<8192x1024xf32, #tpu.memory_space<hbm>>) dst(%dma_wait3A_298 : memref<16x1024xf32, #tpu.memory_space<vmem>>)
    %add3A_305 = arith.constant 64 : i32
    %add3A_306 = arith.addi %mul3A_2, %add3A_305 : i32
    %dma_start3A_307 = arith.constant 4 : i32
    %dma_start3A_308 = arith.constant 0 : i32
    %dma_start3A_309 = arith.constant 0 : i32
    %dma_start3A_310 = tpu.memref_slice %arg6[%dma_start3A_307, %dma_start3A_308, %dma_start3A_309] : memref<7x16x1024xf32, #tpu.memory_space<vmem>> -> memref<1x16x1024xf32, #tpu.memory_space<vmem>>
    %dma_start3A_311 = tpu.memref_squeeze %dma_start3A_310 : memref<1x16x1024xf32, #tpu.memory_space<vmem>> -> memref<16x1024xf32, #tpu.memory_space<vmem>>
    %dma_start3A_312 = arith.constant 0 : i32
    %dma_start3A_313 = tpu.memref_slice %arg4[%add3A_306, %dma_start3A_312] : memref<8192x1024xf32, #tpu.memory_space<hbm>> -> memref<16x1024xf32, #tpu.memory_space<hbm>>
    %dma_start3A_314 = arith.constant 0 : i32
    %dma_start3A_315 = tpu.memref_slice %arg4[%add3A_306, %dma_start3A_314] : memref<8192x1024xf32, #tpu.memory_space<hbm>> -> memref<16x1024xf32, #tpu.memory_space<hbm>>
    %dma_start3A_316 = arith.constant 0 : i32
    %dma_start3A_317 = arith.constant 0 : i32
    %dma_start3A_318 = tpu.memref_slice %arg6[%dma_start3A_307, %dma_start3A_316, %dma_start3A_317] : memref<7x16x1024xf32, #tpu.memory_space<vmem>> -> memref<1x16x1024xf32, #tpu.memory_space<vmem>>
    %dma_start3A_319 = tpu.memref_squeeze %dma_start3A_318 : memref<1x16x1024xf32, #tpu.memory_space<vmem>> -> memref<16x1024xf32, #tpu.memory_space<vmem>>
    tpu.enqueue_dma source(%dma_start3A_319 : memref<16x1024xf32, #tpu.memory_space<vmem>>) target(%dma_start3A_315 : memref<16x1024xf32, #tpu.memory_space<hbm>>) target_semaphore(%arg18 : memref<!tpu.dma_semaphore, #tpu.memory_space<semaphore_mem>>)
    %dma_wait3A_320 = arith.constant 4 : i32
    %dma_wait3A_321 = arith.constant 0 : i32
    %dma_wait3A_322 = arith.constant 0 : i32
    %dma_wait3A_323 = tpu.memref_slice %arg6[%dma_wait3A_320, %dma_wait3A_321, %dma_wait3A_322] : memref<7x16x1024xf32, #tpu.memory_space<vmem>> -> memref<1x16x1024xf32, #tpu.memory_space<vmem>>
    %dma_wait3A_324 = tpu.memref_squeeze %dma_wait3A_323 : memref<1x16x1024xf32, #tpu.memory_space<vmem>> -> memref<16x1024xf32, #tpu.memory_space<vmem>>
    %dma_wait3A_325 = arith.constant 0 : i32
    %dma_wait3A_326 = tpu.memref_slice %arg4[%add3A_306, %dma_wait3A_325] : memref<8192x1024xf32, #tpu.memory_space<hbm>> -> memref<16x1024xf32, #tpu.memory_space<hbm>>
    %dma_wait3A_327 = arith.constant 0 : i32
    %dma_wait3A_328 = tpu.memref_slice %arg4[%add3A_306, %dma_wait3A_327] : memref<8192x1024xf32, #tpu.memory_space<hbm>> -> memref<16x1024xf32, #tpu.memory_space<hbm>>
    %dma_wait3A_329 = arith.constant 0 : i32
    %dma_wait3A_330 = arith.constant 0 : i32
    %dma_wait3A_331 = tpu.memref_slice %arg6[%dma_wait3A_320, %dma_wait3A_329, %dma_wait3A_330] : memref<7x16x1024xf32, #tpu.memory_space<vmem>> -> memref<1x16x1024xf32, #tpu.memory_space<vmem>>
    %dma_wait3A_332 = tpu.memref_squeeze %dma_wait3A_331 : memref<1x16x1024xf32, #tpu.memory_space<vmem>> -> memref<16x1024xf32, #tpu.memory_space<vmem>>
    tpu.wait_dma2 semaphore(%arg18 : memref<!tpu.dma_semaphore, #tpu.memory_space<semaphore_mem>>) src(%dma_wait3A_332 : memref<16x1024xf32, #tpu.memory_space<vmem>>) dst(%dma_wait3A_328 : memref<16x1024xf32, #tpu.memory_space<hbm>>)
    %dma_start3A_333 = arith.constant 11 : i32
    %dma_start3A_334 = arith.constant 4 : i32
    %dma_start3A_335 = arith.constant 0 : i32
    %dma_start3A_336 = arith.constant 0 : i32
    %dma_start3A_337 = tpu.memref_slice %arg6[%dma_start3A_334, %dma_start3A_335, %dma_start3A_336] : memref<7x16x1024xf32, #tpu.memory_space<vmem>> -> memref<1x16x1024xf32, #tpu.memory_space<vmem>>
    %dma_start3A_338 = tpu.memref_squeeze %dma_start3A_337 : memref<1x16x1024xf32, #tpu.memory_space<vmem>> -> memref<16x1024xf32, #tpu.memory_space<vmem>>
    %dma_start3A_339 = arith.constant 0 : i32
    %dma_start3A_340 = tpu.memref_slice %arg5[%dma_start3A_333, %dma_start3A_339] : memref<16x16xi32, #tpu.memory_space<vmem>> -> memref<1x16xi32, #tpu.memory_space<vmem>>
    %dma_start3A_341 = tpu.memref_squeeze %dma_start3A_340 : memref<1x16xi32, #tpu.memory_space<vmem>> -> memref<16xi32, #tpu.memory_space<vmem>>
    %dma_start3A_342 = arith.constant 0 : i32
    %dma_start3A_343 = arith.constant 0 : i32
    %dma_start3A_344 = tpu.memref_slice %arg3[%dma_start3A_342, %dma_start3A_343] : memref<8192x1024xf32, #tpu.memory_space<hbm>> -> memref<8192x1024xf32, #tpu.memory_space<hbm>>
    tpu.enqueue_indirect_dma source(%dma_start3A_344 : memref<8192x1024xf32, #tpu.memory_space<hbm>>) target(%dma_start3A_338 : memref<16x1024xf32, #tpu.memory_space<vmem>>) offsets(%dma_start3A_341 : memref<16xi32, #tpu.memory_space<vmem>>) semaphore(%arg11 : memref<!tpu.dma_semaphore, #tpu.memory_space<semaphore_mem>>)
    %dma_wait3A_345 = arith.constant 5 : i32
    %dma_wait3A_346 = arith.constant 5 : i32
    %dma_wait3A_347 = arith.constant 0 : i32
    %dma_wait3A_348 = arith.constant 0 : i32
    %dma_wait3A_349 = tpu.memref_slice %arg6[%dma_wait3A_346, %dma_wait3A_347, %dma_wait3A_348] : memref<7x16x1024xf32, #tpu.memory_space<vmem>> -> memref<1x16x1024xf32, #tpu.memory_space<vmem>>
    %dma_wait3A_350 = tpu.memref_squeeze %dma_wait3A_349 : memref<1x16x1024xf32, #tpu.memory_space<vmem>> -> memref<16x1024xf32, #tpu.memory_space<vmem>>
    %dma_wait3A_351 = arith.constant 0 : i32
    %dma_wait3A_352 = tpu.memref_slice %arg5[%dma_wait3A_345, %dma_wait3A_351] : memref<16x16xi32, #tpu.memory_space<vmem>> -> memref<1x16xi32, #tpu.memory_space<vmem>>
    %dma_wait3A_353 = tpu.memref_squeeze %dma_wait3A_352 : memref<1x16xi32, #tpu.memory_space<vmem>> -> memref<16xi32, #tpu.memory_space<vmem>>
    %dma_wait3A_354 = arith.constant 0 : i32
    %dma_wait3A_355 = arith.constant 0 : i32
    %dma_wait3A_356 = tpu.memref_slice %arg3[%dma_wait3A_354, %dma_wait3A_355] : memref<8192x1024xf32, #tpu.memory_space<hbm>> -> memref<8192x1024xf32, #tpu.memory_space<hbm>>
    tpu.wait_indirect_dma semaphore(%arg12 : memref<!tpu.dma_semaphore, #tpu.memory_space<semaphore_mem>>) src(%dma_wait3A_356 : memref<8192x1024xf32, #tpu.memory_space<hbm>>) dst(%dma_wait3A_350 : memref<16x1024xf32, #tpu.memory_space<vmem>>)
    %add3A_357 = arith.constant 80 : i32
    %add3A_358 = arith.addi %mul3A_2, %add3A_357 : i32
    %dma_start3A_359 = arith.constant 5 : i32
    %dma_start3A_360 = arith.constant 0 : i32
    %dma_start3A_361 = arith.constant 0 : i32
    %dma_start3A_362 = tpu.memref_slice %arg6[%dma_start3A_359, %dma_start3A_360, %dma_start3A_361] : memref<7x16x1024xf32, #tpu.memory_space<vmem>> -> memref<1x16x1024xf32, #tpu.memory_space<vmem>>
    %dma_start3A_363 = tpu.memref_squeeze %dma_start3A_362 : memref<1x16x1024xf32, #tpu.memory_space<vmem>> -> memref<16x1024xf32, #tpu.memory_space<vmem>>
    %dma_start3A_364 = arith.constant 0 : i32
    %dma_start3A_365 = tpu.memref_slice %arg4[%add3A_358, %dma_start3A_364] : memref<8192x1024xf32, #tpu.memory_space<hbm>> -> memref<16x1024xf32, #tpu.memory_space<hbm>>
    %dma_start3A_366 = arith.constant 0 : i32
    %dma_start3A_367 = tpu.memref_slice %arg4[%add3A_358, %dma_start3A_366] : memref<8192x1024xf32, #tpu.memory_space<hbm>> -> memref<16x1024xf32, #tpu.memory_space<hbm>>
    %dma_start3A_368 = arith.constant 0 : i32
    %dma_start3A_369 = arith.constant 0 : i32
    %dma_start3A_370 = tpu.memref_slice %arg6[%dma_start3A_359, %dma_start3A_368, %dma_start3A_369] : memref<7x16x1024xf32, #tpu.memory_space<vmem>> -> memref<1x16x1024xf32, #tpu.memory_space<vmem>>
    %dma_start3A_371 = tpu.memref_squeeze %dma_start3A_370 : memref<1x16x1024xf32, #tpu.memory_space<vmem>> -> memref<16x1024xf32, #tpu.memory_space<vmem>>
    tpu.enqueue_dma source(%dma_start3A_371 : memref<16x1024xf32, #tpu.memory_space<vmem>>) target(%dma_start3A_367 : memref<16x1024xf32, #tpu.memory_space<hbm>>) target_semaphore(%arg19 : memref<!tpu.dma_semaphore, #tpu.memory_space<semaphore_mem>>)
    %dma_wait3A_372 = arith.constant 5 : i32
    %dma_wait3A_373 = arith.constant 0 : i32
    %dma_wait3A_374 = arith.constant 0 : i32
    %dma_wait3A_375 = tpu.memref_slice %arg6[%dma_wait3A_372, %dma_wait3A_373, %dma_wait3A_374] : memref<7x16x1024xf32, #tpu.memory_space<vmem>> -> memref<1x16x1024xf32, #tpu.memory_space<vmem>>
    %dma_wait3A_376 = tpu.memref_squeeze %dma_wait3A_375 : memref<1x16x1024xf32, #tpu.memory_space<vmem>> -> memref<16x1024xf32, #tpu.memory_space<vmem>>
    %dma_wait3A_377 = arith.constant 0 : i32
    %dma_wait3A_378 = tpu.memref_slice %arg4[%add3A_358, %dma_wait3A_377] : memref<8192x1024xf32, #tpu.memory_space<hbm>> -> memref<16x1024xf32, #tpu.memory_space<hbm>>
    %dma_wait3A_379 = arith.constant 0 : i32
    %dma_wait3A_380 = tpu.memref_slice %arg4[%add3A_358, %dma_wait3A_379] : memref<8192x1024xf32, #tpu.memory_space<hbm>> -> memref<16x1024xf32, #tpu.memory_space<hbm>>
    %dma_wait3A_381 = arith.constant 0 : i32
    %dma_wait3A_382 = arith.constant 0 : i32
    %dma_wait3A_383 = tpu.memref_slice %arg6[%dma_wait3A_372, %dma_wait3A_381, %dma_wait3A_382] : memref<7x16x1024xf32, #tpu.memory_space<vmem>> -> memref<1x16x1024xf32, #tpu.memory_space<vmem>>
    %dma_wait3A_384 = tpu.memref_squeeze %dma_wait3A_383 : memref<1x16x1024xf32, #tpu.memory_space<vmem>> -> memref<16x1024xf32, #tpu.memory_space<vmem>>
    tpu.wait_dma2 semaphore(%arg19 : memref<!tpu.dma_semaphore, #tpu.memory_space<semaphore_mem>>) src(%dma_wait3A_384 : memref<16x1024xf32, #tpu.memory_space<vmem>>) dst(%dma_wait3A_380 : memref<16x1024xf32, #tpu.memory_space<hbm>>)
    %dma_start3A_385 = arith.constant 12 : i32
    %dma_start3A_386 = arith.constant 5 : i32
    %dma_start3A_387 = arith.constant 0 : i32
    %dma_start3A_388 = arith.constant 0 : i32
    %dma_start3A_389 = tpu.memref_slice %arg6[%dma_start3A_386, %dma_start3A_387, %dma_start3A_388] : memref<7x16x1024xf32, #tpu.memory_space<vmem>> -> memref<1x16x1024xf32, #tpu.memory_space<vmem>>
    %dma_start3A_390 = tpu.memref_squeeze %dma_start3A_389 : memref<1x16x1024xf32, #tpu.memory_space<vmem>> -> memref<16x1024xf32, #tpu.memory_space<vmem>>
    %dma_start3A_391 = arith.constant 0 : i32
    %dma_start3A_392 = tpu.memref_slice %arg5[%dma_start3A_385, %dma_start3A_391] : memref<16x16xi32, #tpu.memory_space<vmem>> -> memref<1x16xi32, #tpu.memory_space<vmem>>
    %dma_start3A_393 = tpu.memref_squeeze %dma_start3A_392 : memref<1x16xi32, #tpu.memory_space<vmem>> -> memref<16xi32, #tpu.memory_space<vmem>>
    %dma_start3A_394 = arith.constant 0 : i32
    %dma_start3A_395 = arith.constant 0 : i32
    %dma_start3A_396 = tpu.memref_slice %arg3[%dma_start3A_394, %dma_start3A_395] : memref<8192x1024xf32, #tpu.memory_space<hbm>> -> memref<8192x1024xf32, #tpu.memory_space<hbm>>
    tpu.enqueue_indirect_dma source(%dma_start3A_396 : memref<8192x1024xf32, #tpu.memory_space<hbm>>) target(%dma_start3A_390 : memref<16x1024xf32, #tpu.memory_space<vmem>>) offsets(%dma_start3A_393 : memref<16xi32, #tpu.memory_space<vmem>>) semaphore(%arg12 : memref<!tpu.dma_semaphore, #tpu.memory_space<semaphore_mem>>)
    %dma_wait3A_397 = arith.constant 6 : i32
    %dma_wait3A_398 = arith.constant 6 : i32
    %dma_wait3A_399 = arith.constant 0 : i32
    %dma_wait3A_400 = arith.constant 0 : i32
    %dma_wait3A_401 = tpu.memref_slice %arg6[%dma_wait3A_398, %dma_wait3A_399, %dma_wait3A_400] : memref<7x16x1024xf32, #tpu.memory_space<vmem>> -> memref<1x16x1024xf32, #tpu.memory_space<vmem>>
    %dma_wait3A_402 = tpu.memref_squeeze %dma_wait3A_401 : memref<1x16x1024xf32, #tpu.memory_space<vmem>> -> memref<16x1024xf32, #tpu.memory_space<vmem>>
    %dma_wait3A_403 = arith.constant 0 : i32
    %dma_wait3A_404 = tpu.memref_slice %arg5[%dma_wait3A_397, %dma_wait3A_403] : memref<16x16xi32, #tpu.memory_space<vmem>> -> memref<1x16xi32, #tpu.memory_space<vmem>>
    %dma_wait3A_405 = tpu.memref_squeeze %dma_wait3A_404 : memref<1x16xi32, #tpu.memory_space<vmem>> -> memref<16xi32, #tpu.memory_space<vmem>>
    %dma_wait3A_406 = arith.constant 0 : i32
    %dma_wait3A_407 = arith.constant 0 : i32
    %dma_wait3A_408 = tpu.memref_slice %arg3[%dma_wait3A_406, %dma_wait3A_407] : memref<8192x1024xf32, #tpu.memory_space<hbm>> -> memref<8192x1024xf32, #tpu.memory_space<hbm>>
    tpu.wait_indirect_dma semaphore(%arg13 : memref<!tpu.dma_semaphore, #tpu.memory_space<semaphore_mem>>) src(%dma_wait3A_408 : memref<8192x1024xf32, #tpu.memory_space<hbm>>) dst(%dma_wait3A_402 : memref<16x1024xf32, #tpu.memory_space<vmem>>)
    %add3A_409 = arith.constant 96 : i32
    %add3A_410 = arith.addi %mul3A_2, %add3A_409 : i32
    %dma_start3A_411 = arith.constant 6 : i32
    %dma_start3A_412 = arith.constant 0 : i32
    %dma_start3A_413 = arith.constant 0 : i32
    %dma_start3A_414 = tpu.memref_slice %arg6[%dma_start3A_411, %dma_start3A_412, %dma_start3A_413] : memref<7x16x1024xf32, #tpu.memory_space<vmem>> -> memref<1x16x1024xf32, #tpu.memory_space<vmem>>
    %dma_start3A_415 = tpu.memref_squeeze %dma_start3A_414 : memref<1x16x1024xf32, #tpu.memory_space<vmem>> -> memref<16x1024xf32, #tpu.memory_space<vmem>>
    %dma_start3A_416 = arith.constant 0 : i32
    %dma_start3A_417 = tpu.memref_slice %arg4[%add3A_410, %dma_start3A_416] : memref<8192x1024xf32, #tpu.memory_space<hbm>> -> memref<16x1024xf32, #tpu.memory_space<hbm>>
    %dma_start3A_418 = arith.constant 0 : i32
    %dma_start3A_419 = tpu.memref_slice %arg4[%add3A_410, %dma_start3A_418] : memref<8192x1024xf32, #tpu.memory_space<hbm>> -> memref<16x1024xf32, #tpu.memory_space<hbm>>
    %dma_start3A_420 = arith.constant 0 : i32
    %dma_start3A_421 = arith.constant 0 : i32
    %dma_start3A_422 = tpu.memref_slice %arg6[%dma_start3A_411, %dma_start3A_420, %dma_start3A_421] : memref<7x16x1024xf32, #tpu.memory_space<vmem>> -> memref<1x16x1024xf32, #tpu.memory_space<vmem>>
    %dma_start3A_423 = tpu.memref_squeeze %dma_start3A_422 : memref<1x16x1024xf32, #tpu.memory_space<vmem>> -> memref<16x1024xf32, #tpu.memory_space<vmem>>
    tpu.enqueue_dma source(%dma_start3A_423 : memref<16x1024xf32, #tpu.memory_space<vmem>>) target(%dma_start3A_419 : memref<16x1024xf32, #tpu.memory_space<hbm>>) target_semaphore(%arg20 : memref<!tpu.dma_semaphore, #tpu.memory_space<semaphore_mem>>)
    %dma_wait3A_424 = arith.constant 6 : i32
    %dma_wait3A_425 = arith.constant 0 : i32
    %dma_wait3A_426 = arith.constant 0 : i32
    %dma_wait3A_427 = tpu.memref_slice %arg6[%dma_wait3A_424, %dma_wait3A_425, %dma_wait3A_426] : memref<7x16x1024xf32, #tpu.memory_space<vmem>> -> memref<1x16x1024xf32, #tpu.memory_space<vmem>>
    %dma_wait3A_428 = tpu.memref_squeeze %dma_wait3A_427 : memref<1x16x1024xf32, #tpu.memory_space<vmem>> -> memref<16x1024xf32, #tpu.memory_space<vmem>>
    %dma_wait3A_429 = arith.constant 0 : i32
    %dma_wait3A_430 = tpu.memref_slice %arg4[%add3A_410, %dma_wait3A_429] : memref<8192x1024xf32, #tpu.memory_space<hbm>> -> memref<16x1024xf32, #tpu.memory_space<hbm>>
    %dma_wait3A_431 = arith.constant 0 : i32
    %dma_wait3A_432 = tpu.memref_slice %arg4[%add3A_410, %dma_wait3A_431] : memref<8192x1024xf32, #tpu.memory_space<hbm>> -> memref<16x1024xf32, #tpu.memory_space<hbm>>
    %dma_wait3A_433 = arith.constant 0 : i32
    %dma_wait3A_434 = arith.constant 0 : i32
    %dma_wait3A_435 = tpu.memref_slice %arg6[%dma_wait3A_424, %dma_wait3A_433, %dma_wait3A_434] : memref<7x16x1024xf32, #tpu.memory_space<vmem>> -> memref<1x16x1024xf32, #tpu.memory_space<vmem>>
    %dma_wait3A_436 = tpu.memref_squeeze %dma_wait3A_435 : memref<1x16x1024xf32, #tpu.memory_space<vmem>> -> memref<16x1024xf32, #tpu.memory_space<vmem>>
    tpu.wait_dma2 semaphore(%arg20 : memref<!tpu.dma_semaphore, #tpu.memory_space<semaphore_mem>>) src(%dma_wait3A_436 : memref<16x1024xf32, #tpu.memory_space<vmem>>) dst(%dma_wait3A_432 : memref<16x1024xf32, #tpu.memory_space<hbm>>)
    %dma_start3A_437 = arith.constant 13 : i32
    %dma_start3A_438 = arith.constant 6 : i32
    %dma_start3A_439 = arith.constant 0 : i32
    %dma_start3A_440 = arith.constant 0 : i32
    %dma_start3A_441 = tpu.memref_slice %arg6[%dma_start3A_438, %dma_start3A_439, %dma_start3A_440] : memref<7x16x1024xf32, #tpu.memory_space<vmem>> -> memref<1x16x1024xf32, #tpu.memory_space<vmem>>
    %dma_start3A_442 = tpu.memref_squeeze %dma_start3A_441 : memref<1x16x1024xf32, #tpu.memory_space<vmem>> -> memref<16x1024xf32, #tpu.memory_space<vmem>>
    %dma_start3A_443 = arith.constant 0 : i32
    %dma_start3A_444 = tpu.memref_slice %arg5[%dma_start3A_437, %dma_start3A_443] : memref<16x16xi32, #tpu.memory_space<vmem>> -> memref<1x16xi32, #tpu.memory_space<vmem>>
    %dma_start3A_445 = tpu.memref_squeeze %dma_start3A_444 : memref<1x16xi32, #tpu.memory_space<vmem>> -> memref<16xi32, #tpu.memory_space<vmem>>
    %dma_start3A_446 = arith.constant 0 : i32
    %dma_start3A_447 = arith.constant 0 : i32
    %dma_start3A_448 = tpu.memref_slice %arg3[%dma_start3A_446, %dma_start3A_447] : memref<8192x1024xf32, #tpu.memory_space<hbm>> -> memref<8192x1024xf32, #tpu.memory_space<hbm>>
    tpu.enqueue_indirect_dma source(%dma_start3A_448 : memref<8192x1024xf32, #tpu.memory_space<hbm>>) target(%dma_start3A_442 : memref<16x1024xf32, #tpu.memory_space<vmem>>) offsets(%dma_start3A_445 : memref<16xi32, #tpu.memory_space<vmem>>) semaphore(%arg13 : memref<!tpu.dma_semaphore, #tpu.memory_space<semaphore_mem>>)
    %dma_wait3A_449 = arith.constant 7 : i32
    %dma_wait3A_450 = arith.constant 0 : i32
    %dma_wait3A_451 = arith.constant 0 : i32
    %dma_wait3A_452 = arith.constant 0 : i32
    %dma_wait3A_453 = tpu.memref_slice %arg6[%dma_wait3A_450, %dma_wait3A_451, %dma_wait3A_452] : memref<7x16x1024xf32, #tpu.memory_space<vmem>> -> memref<1x16x1024xf32, #tpu.memory_space<vmem>>
    %dma_wait3A_454 = tpu.memref_squeeze %dma_wait3A_453 : memref<1x16x1024xf32, #tpu.memory_space<vmem>> -> memref<16x1024xf32, #tpu.memory_space<vmem>>
    %dma_wait3A_455 = arith.constant 0 : i32
    %dma_wait3A_456 = tpu.memref_slice %arg5[%dma_wait3A_449, %dma_wait3A_455] : memref<16x16xi32, #tpu.memory_space<vmem>> -> memref<1x16xi32, #tpu.memory_space<vmem>>
    %dma_wait3A_457 = tpu.memref_squeeze %dma_wait3A_456 : memref<1x16xi32, #tpu.memory_space<vmem>> -> memref<16xi32, #tpu.memory_space<vmem>>
    %dma_wait3A_458 = arith.constant 0 : i32
    %dma_wait3A_459 = arith.constant 0 : i32
    %dma_wait3A_460 = tpu.memref_slice %arg3[%dma_wait3A_458, %dma_wait3A_459] : memref<8192x1024xf32, #tpu.memory_space<hbm>> -> memref<8192x1024xf32, #tpu.memory_space<hbm>>
    tpu.wait_indirect_dma semaphore(%arg7 : memref<!tpu.dma_semaphore, #tpu.memory_space<semaphore_mem>>) src(%dma_wait3A_460 : memref<8192x1024xf32, #tpu.memory_space<hbm>>) dst(%dma_wait3A_454 : memref<16x1024xf32, #tpu.memory_space<vmem>>)
    %add3A_461 = arith.constant 112 : i32
    %add3A_462 = arith.addi %mul3A_2, %add3A_461 : i32
    %dma_start3A_463 = arith.constant 0 : i32
    %dma_start3A_464 = arith.constant 0 : i32
    %dma_start3A_465 = arith.constant 0 : i32
    %dma_start3A_466 = tpu.memref_slice %arg6[%dma_start3A_463, %dma_start3A_464, %dma_start3A_465] : memref<7x16x1024xf32, #tpu.memory_space<vmem>> -> memref<1x16x1024xf32, #tpu.memory_space<vmem>>
    %dma_start3A_467 = tpu.memref_squeeze %dma_start3A_466 : memref<1x16x1024xf32, #tpu.memory_space<vmem>> -> memref<16x1024xf32, #tpu.memory_space<vmem>>
    %dma_start3A_468 = arith.constant 0 : i32
    %dma_start3A_469 = tpu.memref_slice %arg4[%add3A_462, %dma_start3A_468] : memref<8192x1024xf32, #tpu.memory_space<hbm>> -> memref<16x1024xf32, #tpu.memory_space<hbm>>
    %dma_start3A_470 = arith.constant 0 : i32
    %dma_start3A_471 = tpu.memref_slice %arg4[%add3A_462, %dma_start3A_470] : memref<8192x1024xf32, #tpu.memory_space<hbm>> -> memref<16x1024xf32, #tpu.memory_space<hbm>>
    %dma_start3A_472 = arith.constant 0 : i32
    %dma_start3A_473 = arith.constant 0 : i32
    %dma_start3A_474 = tpu.memref_slice %arg6[%dma_start3A_463, %dma_start3A_472, %dma_start3A_473] : memref<7x16x1024xf32, #tpu.memory_space<vmem>> -> memref<1x16x1024xf32, #tpu.memory_space<vmem>>
    %dma_start3A_475 = tpu.memref_squeeze %dma_start3A_474 : memref<1x16x1024xf32, #tpu.memory_space<vmem>> -> memref<16x1024xf32, #tpu.memory_space<vmem>>
    tpu.enqueue_dma source(%dma_start3A_475 : memref<16x1024xf32, #tpu.memory_space<vmem>>) target(%dma_start3A_471 : memref<16x1024xf32, #tpu.memory_space<hbm>>) target_semaphore(%arg14 : memref<!tpu.dma_semaphore, #tpu.memory_space<semaphore_mem>>)
    %dma_wait3A_476 = arith.constant 0 : i32
    %dma_wait3A_477 = arith.constant 0 : i32
    %dma_wait3A_478 = arith.constant 0 : i32
    %dma_wait3A_479 = tpu.memref_slice %arg6[%dma_wait3A_476, %dma_wait3A_477, %dma_wait3A_478] : memref<7x16x1024xf32, #tpu.memory_space<vmem>> -> memref<1x16x1024xf32, #tpu.memory_space<vmem>>
    %dma_wait3A_480 = tpu.memref_squeeze %dma_wait3A_479 : memref<1x16x1024xf32, #tpu.memory_space<vmem>> -> memref<16x1024xf32, #tpu.memory_space<vmem>>
    %dma_wait3A_481 = arith.constant 0 : i32
    %dma_wait3A_482 = tpu.memref_slice %arg4[%add3A_462, %dma_wait3A_481] : memref<8192x1024xf32, #tpu.memory_space<hbm>> -> memref<16x1024xf32, #tpu.memory_space<hbm>>
    %dma_wait3A_483 = arith.constant 0 : i32
    %dma_wait3A_484 = tpu.memref_slice %arg4[%add3A_462, %dma_wait3A_483] : memref<8192x1024xf32, #tpu.memory_space<hbm>> -> memref<16x1024xf32, #tpu.memory_space<hbm>>
    %dma_wait3A_485 = arith.constant 0 : i32
    %dma_wait3A_486 = arith.constant 0 : i32
    %dma_wait3A_487 = tpu.memref_slice %arg6[%dma_wait3A_476, %dma_wait3A_485, %dma_wait3A_486] : memref<7x16x1024xf32, #tpu.memory_space<vmem>> -> memref<1x16x1024xf32, #tpu.memory_space<vmem>>
    %dma_wait3A_488 = tpu.memref_squeeze %dma_wait3A_487 : memref<1x16x1024xf32, #tpu.memory_space<vmem>> -> memref<16x1024xf32, #tpu.memory_space<vmem>>
    tpu.wait_dma2 semaphore(%arg14 : memref<!tpu.dma_semaphore, #tpu.memory_space<semaphore_mem>>) src(%dma_wait3A_488 : memref<16x1024xf32, #tpu.memory_space<vmem>>) dst(%dma_wait3A_484 : memref<16x1024xf32, #tpu.memory_space<hbm>>)
    %dma_start3A_489 = arith.constant 14 : i32
    %dma_start3A_490 = arith.constant 0 : i32
    %dma_start3A_491 = arith.constant 0 : i32
    %dma_start3A_492 = arith.constant 0 : i32
    %dma_start3A_493 = tpu.memref_slice %arg6[%dma_start3A_490, %dma_start3A_491, %dma_start3A_492] : memref<7x16x1024xf32, #tpu.memory_space<vmem>> -> memref<1x16x1024xf32, #tpu.memory_space<vmem>>
    %dma_start3A_494 = tpu.memref_squeeze %dma_start3A_493 : memref<1x16x1024xf32, #tpu.memory_space<vmem>> -> memref<16x1024xf32, #tpu.memory_space<vmem>>
    %dma_start3A_495 = arith.constant 0 : i32
    %dma_start3A_496 = tpu.memref_slice %arg5[%dma_start3A_489, %dma_start3A_495] : memref<16x16xi32, #tpu.memory_space<vmem>> -> memref<1x16xi32, #tpu.memory_space<vmem>>
    %dma_start3A_497 = tpu.memref_squeeze %dma_start3A_496 : memref<1x16xi32, #tpu.memory_space<vmem>> -> memref<16xi32, #tpu.memory_space<vmem>>
    %dma_start3A_498 = arith.constant 0 : i32
    %dma_start3A_499 = arith.constant 0 : i32
    %dma_start3A_500 = tpu.memref_slice %arg3[%dma_start3A_498, %dma_start3A_499] : memref<8192x1024xf32, #tpu.memory_space<hbm>> -> memref<8192x1024xf32, #tpu.memory_space<hbm>>
    tpu.enqueue_indirect_dma source(%dma_start3A_500 : memref<8192x1024xf32, #tpu.memory_space<hbm>>) target(%dma_start3A_494 : memref<16x1024xf32, #tpu.memory_space<vmem>>) offsets(%dma_start3A_497 : memref<16xi32, #tpu.memory_space<vmem>>) semaphore(%arg7 : memref<!tpu.dma_semaphore, #tpu.memory_space<semaphore_mem>>)
    %dma_wait3A_501 = arith.constant 8 : i32
    %dma_wait3A_502 = arith.constant 1 : i32
    %dma_wait3A_503 = arith.constant 0 : i32
    %dma_wait3A_504 = arith.constant 0 : i32
    %dma_wait3A_505 = tpu.memref_slice %arg6[%dma_wait3A_502, %dma_wait3A_503, %dma_wait3A_504] : memref<7x16x1024xf32, #tpu.memory_space<vmem>> -> memref<1x16x1024xf32, #tpu.memory_space<vmem>>
    %dma_wait3A_506 = tpu.memref_squeeze %dma_wait3A_505 : memref<1x16x1024xf32, #tpu.memory_space<vmem>> -> memref<16x1024xf32, #tpu.memory_space<vmem>>
    %dma_wait3A_507 = arith.constant 0 : i32
    %dma_wait3A_508 = tpu.memref_slice %arg5[%dma_wait3A_501, %dma_wait3A_507] : memref<16x16xi32, #tpu.memory_space<vmem>> -> memref<1x16xi32, #tpu.memory_space<vmem>>
    %dma_wait3A_509 = tpu.memref_squeeze %dma_wait3A_508 : memref<1x16xi32, #tpu.memory_space<vmem>> -> memref<16xi32, #tpu.memory_space<vmem>>
    %dma_wait3A_510 = arith.constant 0 : i32
    %dma_wait3A_511 = arith.constant 0 : i32
    %dma_wait3A_512 = tpu.memref_slice %arg3[%dma_wait3A_510, %dma_wait3A_511] : memref<8192x1024xf32, #tpu.memory_space<hbm>> -> memref<8192x1024xf32, #tpu.memory_space<hbm>>
    tpu.wait_indirect_dma semaphore(%arg8 : memref<!tpu.dma_semaphore, #tpu.memory_space<semaphore_mem>>) src(%dma_wait3A_512 : memref<8192x1024xf32, #tpu.memory_space<hbm>>) dst(%dma_wait3A_506 : memref<16x1024xf32, #tpu.memory_space<vmem>>)
    %add3A_513 = arith.constant 128 : i32
    %add3A_514 = arith.addi %mul3A_2, %add3A_513 : i32
    %dma_start3A_515 = arith.constant 1 : i32
    %dma_start3A_516 = arith.constant 0 : i32
    %dma_start3A_517 = arith.constant 0 : i32
    %dma_start3A_518 = tpu.memref_slice %arg6[%dma_start3A_515, %dma_start3A_516, %dma_start3A_517] : memref<7x16x1024xf32, #tpu.memory_space<vmem>> -> memref<1x16x1024xf32, #tpu.memory_space<vmem>>
    %dma_start3A_519 = tpu.memref_squeeze %dma_start3A_518 : memref<1x16x1024xf32, #tpu.memory_space<vmem>> -> memref<16x1024xf32, #tpu.memory_space<vmem>>
    %dma_start3A_520 = arith.constant 0 : i32
    %dma_start3A_521 = tpu.memref_slice %arg4[%add3A_514, %dma_start3A_520] : memref<8192x1024xf32, #tpu.memory_space<hbm>> -> memref<16x1024xf32, #tpu.memory_space<hbm>>
    %dma_start3A_522 = arith.constant 0 : i32
    %dma_start3A_523 = tpu.memref_slice %arg4[%add3A_514, %dma_start3A_522] : memref<8192x1024xf32, #tpu.memory_space<hbm>> -> memref<16x1024xf32, #tpu.memory_space<hbm>>
    %dma_start3A_524 = arith.constant 0 : i32
    %dma_start3A_525 = arith.constant 0 : i32
    %dma_start3A_526 = tpu.memref_slice %arg6[%dma_start3A_515, %dma_start3A_524, %dma_start3A_525] : memref<7x16x1024xf32, #tpu.memory_space<vmem>> -> memref<1x16x1024xf32, #tpu.memory_space<vmem>>
    %dma_start3A_527 = tpu.memref_squeeze %dma_start3A_526 : memref<1x16x1024xf32, #tpu.memory_space<vmem>> -> memref<16x1024xf32, #tpu.memory_space<vmem>>
    tpu.enqueue_dma source(%dma_start3A_527 : memref<16x1024xf32, #tpu.memory_space<vmem>>) target(%dma_start3A_523 : memref<16x1024xf32, #tpu.memory_space<hbm>>) target_semaphore(%arg15 : memref<!tpu.dma_semaphore, #tpu.memory_space<semaphore_mem>>)
    %dma_wait3A_528 = arith.constant 1 : i32
    %dma_wait3A_529 = arith.constant 0 : i32
    %dma_wait3A_530 = arith.constant 0 : i32
    %dma_wait3A_531 = tpu.memref_slice %arg6[%dma_wait3A_528, %dma_wait3A_529, %dma_wait3A_530] : memref<7x16x1024xf32, #tpu.memory_space<vmem>> -> memref<1x16x1024xf32, #tpu.memory_space<vmem>>
    %dma_wait3A_532 = tpu.memref_squeeze %dma_wait3A_531 : memref<1x16x1024xf32, #tpu.memory_space<vmem>> -> memref<16x1024xf32, #tpu.memory_space<vmem>>
    %dma_wait3A_533 = arith.constant 0 : i32
    %dma_wait3A_534 = tpu.memref_slice %arg4[%add3A_514, %dma_wait3A_533] : memref<8192x1024xf32, #tpu.memory_space<hbm>> -> memref<16x1024xf32, #tpu.memory_space<hbm>>
    %dma_wait3A_535 = arith.constant 0 : i32
    %dma_wait3A_536 = tpu.memref_slice %arg4[%add3A_514, %dma_wait3A_535] : memref<8192x1024xf32, #tpu.memory_space<hbm>> -> memref<16x1024xf32, #tpu.memory_space<hbm>>
    %dma_wait3A_537 = arith.constant 0 : i32
    %dma_wait3A_538 = arith.constant 0 : i32
    %dma_wait3A_539 = tpu.memref_slice %arg6[%dma_wait3A_528, %dma_wait3A_537, %dma_wait3A_538] : memref<7x16x1024xf32, #tpu.memory_space<vmem>> -> memref<1x16x1024xf32, #tpu.memory_space<vmem>>
    %dma_wait3A_540 = tpu.memref_squeeze %dma_wait3A_539 : memref<1x16x1024xf32, #tpu.memory_space<vmem>> -> memref<16x1024xf32, #tpu.memory_space<vmem>>
    tpu.wait_dma2 semaphore(%arg15 : memref<!tpu.dma_semaphore, #tpu.memory_space<semaphore_mem>>) src(%dma_wait3A_540 : memref<16x1024xf32, #tpu.memory_space<vmem>>) dst(%dma_wait3A_536 : memref<16x1024xf32, #tpu.memory_space<hbm>>)
    %dma_start3A_541 = arith.constant 15 : i32
    %dma_start3A_542 = arith.constant 1 : i32
    %dma_start3A_543 = arith.constant 0 : i32
    %dma_start3A_544 = arith.constant 0 : i32
    %dma_start3A_545 = tpu.memref_slice %arg6[%dma_start3A_542, %dma_start3A_543, %dma_start3A_544] : memref<7x16x1024xf32, #tpu.memory_space<vmem>> -> memref<1x16x1024xf32, #tpu.memory_space<vmem>>
    %dma_start3A_546 = tpu.memref_squeeze %dma_start3A_545 : memref<1x16x1024xf32, #tpu.memory_space<vmem>> -> memref<16x1024xf32, #tpu.memory_space<vmem>>
    %dma_start3A_547 = arith.constant 0 : i32
    %dma_start3A_548 = tpu.memref_slice %arg5[%dma_start3A_541, %dma_start3A_547] : memref<16x16xi32, #tpu.memory_space<vmem>> -> memref<1x16xi32, #tpu.memory_space<vmem>>
    %dma_start3A_549 = tpu.memref_squeeze %dma_start3A_548 : memref<1x16xi32, #tpu.memory_space<vmem>> -> memref<16xi32, #tpu.memory_space<vmem>>
    %dma_start3A_550 = arith.constant 0 : i32
    %dma_start3A_551 = arith.constant 0 : i32
    %dma_start3A_552 = tpu.memref_slice %arg3[%dma_start3A_550, %dma_start3A_551] : memref<8192x1024xf32, #tpu.memory_space<hbm>> -> memref<8192x1024xf32, #tpu.memory_space<hbm>>
    tpu.enqueue_indirect_dma source(%dma_start3A_552 : memref<8192x1024xf32, #tpu.memory_space<hbm>>) target(%dma_start3A_546 : memref<16x1024xf32, #tpu.memory_space<vmem>>) offsets(%dma_start3A_549 : memref<16xi32, #tpu.memory_space<vmem>>) semaphore(%arg8 : memref<!tpu.dma_semaphore, #tpu.memory_space<semaphore_mem>>)
    %dma_wait3A_553 = arith.constant 9 : i32
    %dma_wait3A_554 = arith.constant 2 : i32
    %dma_wait3A_555 = arith.constant 0 : i32
    %dma_wait3A_556 = arith.constant 0 : i32
    %dma_wait3A_557 = tpu.memref_slice %arg6[%dma_wait3A_554, %dma_wait3A_555, %dma_wait3A_556] : memref<7x16x1024xf32, #tpu.memory_space<vmem>> -> memref<1x16x1024xf32, #tpu.memory_space<vmem>>
    %dma_wait3A_558 = tpu.memref_squeeze %dma_wait3A_557 : memref<1x16x1024xf32, #tpu.memory_space<vmem>> -> memref<16x1024xf32, #tpu.memory_space<vmem>>
    %dma_wait3A_559 = arith.constant 0 : i32
    %dma_wait3A_560 = tpu.memref_slice %arg5[%dma_wait3A_553, %dma_wait3A_559] : memref<16x16xi32, #tpu.memory_space<vmem>> -> memref<1x16xi32, #tpu.memory_space<vmem>>
    %dma_wait3A_561 = tpu.memref_squeeze %dma_wait3A_560 : memref<1x16xi32, #tpu.memory_space<vmem>> -> memref<16xi32, #tpu.memory_space<vmem>>
    %dma_wait3A_562 = arith.constant 0 : i32
    %dma_wait3A_563 = arith.constant 0 : i32
    %dma_wait3A_564 = tpu.memref_slice %arg3[%dma_wait3A_562, %dma_wait3A_563] : memref<8192x1024xf32, #tpu.memory_space<hbm>> -> memref<8192x1024xf32, #tpu.memory_space<hbm>>
    tpu.wait_indirect_dma semaphore(%arg9 : memref<!tpu.dma_semaphore, #tpu.memory_space<semaphore_mem>>) src(%dma_wait3A_564 : memref<8192x1024xf32, #tpu.memory_space<hbm>>) dst(%dma_wait3A_558 : memref<16x1024xf32, #tpu.memory_space<vmem>>)
    %add3A_565 = arith.constant 144 : i32
    %add3A_566 = arith.addi %mul3A_2, %add3A_565 : i32
    %dma_start3A_567 = arith.constant 2 : i32
    %dma_start3A_568 = arith.constant 0 : i32
    %dma_start3A_569 = arith.constant 0 : i32
    %dma_start3A_570 = tpu.memref_slice %arg6[%dma_start3A_567, %dma_start3A_568, %dma_start3A_569] : memref<7x16x1024xf32, #tpu.memory_space<vmem>> -> memref<1x16x1024xf32, #tpu.memory_space<vmem>>
    %dma_start3A_571 = tpu.memref_squeeze %dma_start3A_570 : memref<1x16x1024xf32, #tpu.memory_space<vmem>> -> memref<16x1024xf32, #tpu.memory_space<vmem>>
    %dma_start3A_572 = arith.constant 0 : i32
    %dma_start3A_573 = tpu.memref_slice %arg4[%add3A_566, %dma_start3A_572] : memref<8192x1024xf32, #tpu.memory_space<hbm>> -> memref<16x1024xf32, #tpu.memory_space<hbm>>
    %dma_start3A_574 = arith.constant 0 : i32
    %dma_start3A_575 = tpu.memref_slice %arg4[%add3A_566, %dma_start3A_574] : memref<8192x1024xf32, #tpu.memory_space<hbm>> -> memref<16x1024xf32, #tpu.memory_space<hbm>>
    %dma_start3A_576 = arith.constant 0 : i32
    %dma_start3A_577 = arith.constant 0 : i32
    %dma_start3A_578 = tpu.memref_slice %arg6[%dma_start3A_567, %dma_start3A_576, %dma_start3A_577] : memref<7x16x1024xf32, #tpu.memory_space<vmem>> -> memref<1x16x1024xf32, #tpu.memory_space<vmem>>
    %dma_start3A_579 = tpu.memref_squeeze %dma_start3A_578 : memref<1x16x1024xf32, #tpu.memory_space<vmem>> -> memref<16x1024xf32, #tpu.memory_space<vmem>>
    tpu.enqueue_dma source(%dma_start3A_579 : memref<16x1024xf32, #tpu.memory_space<vmem>>) target(%dma_start3A_575 : memref<16x1024xf32, #tpu.memory_space<hbm>>) target_semaphore(%arg16 : memref<!tpu.dma_semaphore, #tpu.memory_space<semaphore_mem>>)
    %dma_wait3A_580 = arith.constant 10 : i32
    %dma_wait3A_581 = arith.constant 3 : i32
    %dma_wait3A_582 = arith.constant 0 : i32
    %dma_wait3A_583 = arith.constant 0 : i32
    %dma_wait3A_584 = tpu.memref_slice %arg6[%dma_wait3A_581, %dma_wait3A_582, %dma_wait3A_583] : memref<7x16x1024xf32, #tpu.memory_space<vmem>> -> memref<1x16x1024xf32, #tpu.memory_space<vmem>>
    %dma_wait3A_585 = tpu.memref_squeeze %dma_wait3A_584 : memref<1x16x1024xf32, #tpu.memory_space<vmem>> -> memref<16x1024xf32, #tpu.memory_space<vmem>>
    %dma_wait3A_586 = arith.constant 0 : i32
    %dma_wait3A_587 = tpu.memref_slice %arg5[%dma_wait3A_580, %dma_wait3A_586] : memref<16x16xi32, #tpu.memory_space<vmem>> -> memref<1x16xi32, #tpu.memory_space<vmem>>
    %dma_wait3A_588 = tpu.memref_squeeze %dma_wait3A_587 : memref<1x16xi32, #tpu.memory_space<vmem>> -> memref<16xi32, #tpu.memory_space<vmem>>
    %dma_wait3A_589 = arith.constant 0 : i32
    %dma_wait3A_590 = arith.constant 0 : i32
    %dma_wait3A_591 = tpu.memref_slice %arg3[%dma_wait3A_589, %dma_wait3A_590] : memref<8192x1024xf32, #tpu.memory_space<hbm>> -> memref<8192x1024xf32, #tpu.memory_space<hbm>>
    tpu.wait_indirect_dma semaphore(%arg10 : memref<!tpu.dma_semaphore, #tpu.memory_space<semaphore_mem>>) src(%dma_wait3A_591 : memref<8192x1024xf32, #tpu.memory_space<hbm>>) dst(%dma_wait3A_585 : memref<16x1024xf32, #tpu.memory_space<vmem>>)
    %add3A_592 = arith.constant 160 : i32
    %add3A_593 = arith.addi %mul3A_2, %add3A_592 : i32
    %dma_start3A_594 = arith.constant 3 : i32
    %dma_start3A_595 = arith.constant 0 : i32
    %dma_start3A_596 = arith.constant 0 : i32
    %dma_start3A_597 = tpu.memref_slice %arg6[%dma_start3A_594, %dma_start3A_595, %dma_start3A_596] : memref<7x16x1024xf32, #tpu.memory_space<vmem>> -> memref<1x16x1024xf32, #tpu.memory_space<vmem>>
    %dma_start3A_598 = tpu.memref_squeeze %dma_start3A_597 : memref<1x16x1024xf32, #tpu.memory_space<vmem>> -> memref<16x1024xf32, #tpu.memory_space<vmem>>
    %dma_start3A_599 = arith.constant 0 : i32
    %dma_start3A_600 = tpu.memref_slice %arg4[%add3A_593, %dma_start3A_599] : memref<8192x1024xf32, #tpu.memory_space<hbm>> -> memref<16x1024xf32, #tpu.memory_space<hbm>>
    %dma_start3A_601 = arith.constant 0 : i32
    %dma_start3A_602 = tpu.memref_slice %arg4[%add3A_593, %dma_start3A_601] : memref<8192x1024xf32, #tpu.memory_space<hbm>> -> memref<16x1024xf32, #tpu.memory_space<hbm>>
    %dma_start3A_603 = arith.constant 0 : i32
    %dma_start3A_604 = arith.constant 0 : i32
    %dma_start3A_605 = tpu.memref_slice %arg6[%dma_start3A_594, %dma_start3A_603, %dma_start3A_604] : memref<7x16x1024xf32, #tpu.memory_space<vmem>> -> memref<1x16x1024xf32, #tpu.memory_space<vmem>>
    %dma_start3A_606 = tpu.memref_squeeze %dma_start3A_605 : memref<1x16x1024xf32, #tpu.memory_space<vmem>> -> memref<16x1024xf32, #tpu.memory_space<vmem>>
    tpu.enqueue_dma source(%dma_start3A_606 : memref<16x1024xf32, #tpu.memory_space<vmem>>) target(%dma_start3A_602 : memref<16x1024xf32, #tpu.memory_space<hbm>>) target_semaphore(%arg17 : memref<!tpu.dma_semaphore, #tpu.memory_space<semaphore_mem>>)
    %dma_wait3A_607 = arith.constant 11 : i32
    %dma_wait3A_608 = arith.constant 4 : i32
    %dma_wait3A_609 = arith.constant 0 : i32
    %dma_wait3A_610 = arith.constant 0 : i32
    %dma_wait3A_611 = tpu.memref_slice %arg6[%dma_wait3A_608, %dma_wait3A_609, %dma_wait3A_610] : memref<7x16x1024xf32, #tpu.memory_space<vmem>> -> memref<1x16x1024xf32, #tpu.memory_space<vmem>>
    %dma_wait3A_612 = tpu.memref_squeeze %dma_wait3A_611 : memref<1x16x1024xf32, #tpu.memory_space<vmem>> -> memref<16x1024xf32, #tpu.memory_space<vmem>>
    %dma_wait3A_613 = arith.constant 0 : i32
    %dma_wait3A_614 = tpu.memref_slice %arg5[%dma_wait3A_607, %dma_wait3A_613] : memref<16x16xi32, #tpu.memory_space<vmem>> -> memref<1x16xi32, #tpu.memory_space<vmem>>
    %dma_wait3A_615 = tpu.memref_squeeze %dma_wait3A_614 : memref<1x16xi32, #tpu.memory_space<vmem>> -> memref<16xi32, #tpu.memory_space<vmem>>
    %dma_wait3A_616 = arith.constant 0 : i32
    %dma_wait3A_617 = arith.constant 0 : i32
    %dma_wait3A_618 = tpu.memref_slice %arg3[%dma_wait3A_616, %dma_wait3A_617] : memref<8192x1024xf32, #tpu.memory_space<hbm>> -> memref<8192x1024xf32, #tpu.memory_space<hbm>>
    tpu.wait_indirect_dma semaphore(%arg11 : memref<!tpu.dma_semaphore, #tpu.memory_space<semaphore_mem>>) src(%dma_wait3A_618 : memref<8192x1024xf32, #tpu.memory_space<hbm>>) dst(%dma_wait3A_612 : memref<16x1024xf32, #tpu.memory_space<vmem>>)
    %add3A_619 = arith.constant 176 : i32
    %add3A_620 = arith.addi %mul3A_2, %add3A_619 : i32
    %dma_start3A_621 = arith.constant 4 : i32
    %dma_start3A_622 = arith.constant 0 : i32
    %dma_start3A_623 = arith.constant 0 : i32
    %dma_start3A_624 = tpu.memref_slice %arg6[%dma_start3A_621, %dma_start3A_622, %dma_start3A_623] : memref<7x16x1024xf32, #tpu.memory_space<vmem>> -> memref<1x16x1024xf32, #tpu.memory_space<vmem>>
    %dma_start3A_625 = tpu.memref_squeeze %dma_start3A_624 : memref<1x16x1024xf32, #tpu.memory_space<vmem>> -> memref<16x1024xf32, #tpu.memory_space<vmem>>
    %dma_start3A_626 = arith.constant 0 : i32
    %dma_start3A_627 = tpu.memref_slice %arg4[%add3A_620, %dma_start3A_626] : memref<8192x1024xf32, #tpu.memory_space<hbm>> -> memref<16x1024xf32, #tpu.memory_space<hbm>>
    %dma_start3A_628 = arith.constant 0 : i32
    %dma_start3A_629 = tpu.memref_slice %arg4[%add3A_620, %dma_start3A_628] : memref<8192x1024xf32, #tpu.memory_space<hbm>> -> memref<16x1024xf32, #tpu.memory_space<hbm>>
    %dma_start3A_630 = arith.constant 0 : i32
    %dma_start3A_631 = arith.constant 0 : i32
    %dma_start3A_632 = tpu.memref_slice %arg6[%dma_start3A_621, %dma_start3A_630, %dma_start3A_631] : memref<7x16x1024xf32, #tpu.memory_space<vmem>> -> memref<1x16x1024xf32, #tpu.memory_space<vmem>>
    %dma_start3A_633 = tpu.memref_squeeze %dma_start3A_632 : memref<1x16x1024xf32, #tpu.memory_space<vmem>> -> memref<16x1024xf32, #tpu.memory_space<vmem>>
    tpu.enqueue_dma source(%dma_start3A_633 : memref<16x1024xf32, #tpu.memory_space<vmem>>) target(%dma_start3A_629 : memref<16x1024xf32, #tpu.memory_space<hbm>>) target_semaphore(%arg18 : memref<!tpu.dma_semaphore, #tpu.memory_space<semaphore_mem>>)
    %dma_wait3A_634 = arith.constant 12 : i32
    %dma_wait3A_635 = arith.constant 5 : i32
    %dma_wait3A_636 = arith.constant 0 : i32
    %dma_wait3A_637 = arith.constant 0 : i32
    %dma_wait3A_638 = tpu.memref_slice %arg6[%dma_wait3A_635, %dma_wait3A_636, %dma_wait3A_637] : memref<7x16x1024xf32, #tpu.memory_space<vmem>> -> memref<1x16x1024xf32, #tpu.memory_space<vmem>>
    %dma_wait3A_639 = tpu.memref_squeeze %dma_wait3A_638 : memref<1x16x1024xf32, #tpu.memory_space<vmem>> -> memref<16x1024xf32, #tpu.memory_space<vmem>>
    %dma_wait3A_640 = arith.constant 0 : i32
    %dma_wait3A_641 = tpu.memref_slice %arg5[%dma_wait3A_634, %dma_wait3A_640] : memref<16x16xi32, #tpu.memory_space<vmem>> -> memref<1x16xi32, #tpu.memory_space<vmem>>
    %dma_wait3A_642 = tpu.memref_squeeze %dma_wait3A_641 : memref<1x16xi32, #tpu.memory_space<vmem>> -> memref<16xi32, #tpu.memory_space<vmem>>
    %dma_wait3A_643 = arith.constant 0 : i32
    %dma_wait3A_644 = arith.constant 0 : i32
    %dma_wait3A_645 = tpu.memref_slice %arg3[%dma_wait3A_643, %dma_wait3A_644] : memref<8192x1024xf32, #tpu.memory_space<hbm>> -> memref<8192x1024xf32, #tpu.memory_space<hbm>>
    tpu.wait_indirect_dma semaphore(%arg12 : memref<!tpu.dma_semaphore, #tpu.memory_space<semaphore_mem>>) src(%dma_wait3A_645 : memref<8192x1024xf32, #tpu.memory_space<hbm>>) dst(%dma_wait3A_639 : memref<16x1024xf32, #tpu.memory_space<vmem>>)
    %add3A_646 = arith.constant 192 : i32
    %add3A_647 = arith.addi %mul3A_2, %add3A_646 : i32
    %dma_start3A_648 = arith.constant 5 : i32
    %dma_start3A_649 = arith.constant 0 : i32
    %dma_start3A_650 = arith.constant 0 : i32
    %dma_start3A_651 = tpu.memref_slice %arg6[%dma_start3A_648, %dma_start3A_649, %dma_start3A_650] : memref<7x16x1024xf32, #tpu.memory_space<vmem>> -> memref<1x16x1024xf32, #tpu.memory_space<vmem>>
    %dma_start3A_652 = tpu.memref_squeeze %dma_start3A_651 : memref<1x16x1024xf32, #tpu.memory_space<vmem>> -> memref<16x1024xf32, #tpu.memory_space<vmem>>
    %dma_start3A_653 = arith.constant 0 : i32
    %dma_start3A_654 = tpu.memref_slice %arg4[%add3A_647, %dma_start3A_653] : memref<8192x1024xf32, #tpu.memory_space<hbm>> -> memref<16x1024xf32, #tpu.memory_space<hbm>>
    %dma_start3A_655 = arith.constant 0 : i32
    %dma_start3A_656 = tpu.memref_slice %arg4[%add3A_647, %dma_start3A_655] : memref<8192x1024xf32, #tpu.memory_space<hbm>> -> memref<16x1024xf32, #tpu.memory_space<hbm>>
    %dma_start3A_657 = arith.constant 0 : i32
    %dma_start3A_658 = arith.constant 0 : i32
    %dma_start3A_659 = tpu.memref_slice %arg6[%dma_start3A_648, %dma_start3A_657, %dma_start3A_658] : memref<7x16x1024xf32, #tpu.memory_space<vmem>> -> memref<1x16x1024xf32, #tpu.memory_space<vmem>>
    %dma_start3A_660 = tpu.memref_squeeze %dma_start3A_659 : memref<1x16x1024xf32, #tpu.memory_space<vmem>> -> memref<16x1024xf32, #tpu.memory_space<vmem>>
    tpu.enqueue_dma source(%dma_start3A_660 : memref<16x1024xf32, #tpu.memory_space<vmem>>) target(%dma_start3A_656 : memref<16x1024xf32, #tpu.memory_space<hbm>>) target_semaphore(%arg19 : memref<!tpu.dma_semaphore, #tpu.memory_space<semaphore_mem>>)
    %dma_wait3A_661 = arith.constant 13 : i32
    %dma_wait3A_662 = arith.constant 6 : i32
    %dma_wait3A_663 = arith.constant 0 : i32
    %dma_wait3A_664 = arith.constant 0 : i32
    %dma_wait3A_665 = tpu.memref_slice %arg6[%dma_wait3A_662, %dma_wait3A_663, %dma_wait3A_664] : memref<7x16x1024xf32, #tpu.memory_space<vmem>> -> memref<1x16x1024xf32, #tpu.memory_space<vmem>>
    %dma_wait3A_666 = tpu.memref_squeeze %dma_wait3A_665 : memref<1x16x1024xf32, #tpu.memory_space<vmem>> -> memref<16x1024xf32, #tpu.memory_space<vmem>>
    %dma_wait3A_667 = arith.constant 0 : i32
    %dma_wait3A_668 = tpu.memref_slice %arg5[%dma_wait3A_661, %dma_wait3A_667] : memref<16x16xi32, #tpu.memory_space<vmem>> -> memref<1x16xi32, #tpu.memory_space<vmem>>
    %dma_wait3A_669 = tpu.memref_squeeze %dma_wait3A_668 : memref<1x16xi32, #tpu.memory_space<vmem>> -> memref<16xi32, #tpu.memory_space<vmem>>
    %dma_wait3A_670 = arith.constant 0 : i32
    %dma_wait3A_671 = arith.constant 0 : i32
    %dma_wait3A_672 = tpu.memref_slice %arg3[%dma_wait3A_670, %dma_wait3A_671] : memref<8192x1024xf32, #tpu.memory_space<hbm>> -> memref<8192x1024xf32, #tpu.memory_space<hbm>>
    tpu.wait_indirect_dma semaphore(%arg13 : memref<!tpu.dma_semaphore, #tpu.memory_space<semaphore_mem>>) src(%dma_wait3A_672 : memref<8192x1024xf32, #tpu.memory_space<hbm>>) dst(%dma_wait3A_666 : memref<16x1024xf32, #tpu.memory_space<vmem>>)
    %add3A_673 = arith.constant 208 : i32
    %add3A_674 = arith.addi %mul3A_2, %add3A_673 : i32
    %dma_start3A_675 = arith.constant 6 : i32
    %dma_start3A_676 = arith.constant 0 : i32
    %dma_start3A_677 = arith.constant 0 : i32
    %dma_start3A_678 = tpu.memref_slice %arg6[%dma_start3A_675, %dma_start3A_676, %dma_start3A_677] : memref<7x16x1024xf32, #tpu.memory_space<vmem>> -> memref<1x16x1024xf32, #tpu.memory_space<vmem>>
    %dma_start3A_679 = tpu.memref_squeeze %dma_start3A_678 : memref<1x16x1024xf32, #tpu.memory_space<vmem>> -> memref<16x1024xf32, #tpu.memory_space<vmem>>
    %dma_start3A_680 = arith.constant 0 : i32
    %dma_start3A_681 = tpu.memref_slice %arg4[%add3A_674, %dma_start3A_680] : memref<8192x1024xf32, #tpu.memory_space<hbm>> -> memref<16x1024xf32, #tpu.memory_space<hbm>>
    %dma_start3A_682 = arith.constant 0 : i32
    %dma_start3A_683 = tpu.memref_slice %arg4[%add3A_674, %dma_start3A_682] : memref<8192x1024xf32, #tpu.memory_space<hbm>> -> memref<16x1024xf32, #tpu.memory_space<hbm>>
    %dma_start3A_684 = arith.constant 0 : i32
    %dma_start3A_685 = arith.constant 0 : i32
    %dma_start3A_686 = tpu.memref_slice %arg6[%dma_start3A_675, %dma_start3A_684, %dma_start3A_685] : memref<7x16x1024xf32, #tpu.memory_space<vmem>> -> memref<1x16x1024xf32, #tpu.memory_space<vmem>>
    %dma_start3A_687 = tpu.memref_squeeze %dma_start3A_686 : memref<1x16x1024xf32, #tpu.memory_space<vmem>> -> memref<16x1024xf32, #tpu.memory_space<vmem>>
    tpu.enqueue_dma source(%dma_start3A_687 : memref<16x1024xf32, #tpu.memory_space<vmem>>) target(%dma_start3A_683 : memref<16x1024xf32, #tpu.memory_space<hbm>>) target_semaphore(%arg20 : memref<!tpu.dma_semaphore, #tpu.memory_space<semaphore_mem>>)
    %dma_wait3A_688 = arith.constant 14 : i32
    %dma_wait3A_689 = arith.constant 0 : i32
    %dma_wait3A_690 = arith.constant 0 : i32
    %dma_wait3A_691 = arith.constant 0 : i32
    %dma_wait3A_692 = tpu.memref_slice %arg6[%dma_wait3A_689, %dma_wait3A_690, %dma_wait3A_691] : memref<7x16x1024xf32, #tpu.memory_space<vmem>> -> memref<1x16x1024xf32, #tpu.memory_space<vmem>>
    %dma_wait3A_693 = tpu.memref_squeeze %dma_wait3A_692 : memref<1x16x1024xf32, #tpu.memory_space<vmem>> -> memref<16x1024xf32, #tpu.memory_space<vmem>>
    %dma_wait3A_694 = arith.constant 0 : i32
    %dma_wait3A_695 = tpu.memref_slice %arg5[%dma_wait3A_688, %dma_wait3A_694] : memref<16x16xi32, #tpu.memory_space<vmem>> -> memref<1x16xi32, #tpu.memory_space<vmem>>
    %dma_wait3A_696 = tpu.memref_squeeze %dma_wait3A_695 : memref<1x16xi32, #tpu.memory_space<vmem>> -> memref<16xi32, #tpu.memory_space<vmem>>
    %dma_wait3A_697 = arith.constant 0 : i32
    %dma_wait3A_698 = arith.constant 0 : i32
    %dma_wait3A_699 = tpu.memref_slice %arg3[%dma_wait3A_697, %dma_wait3A_698] : memref<8192x1024xf32, #tpu.memory_space<hbm>> -> memref<8192x1024xf32, #tpu.memory_space<hbm>>
    tpu.wait_indirect_dma semaphore(%arg7 : memref<!tpu.dma_semaphore, #tpu.memory_space<semaphore_mem>>) src(%dma_wait3A_699 : memref<8192x1024xf32, #tpu.memory_space<hbm>>) dst(%dma_wait3A_693 : memref<16x1024xf32, #tpu.memory_space<vmem>>)
    %add3A_700 = arith.constant 224 : i32
    %add3A_701 = arith.addi %mul3A_2, %add3A_700 : i32
    %dma_start3A_702 = arith.constant 0 : i32
    %dma_start3A_703 = arith.constant 0 : i32
    %dma_start3A_704 = arith.constant 0 : i32
    %dma_start3A_705 = tpu.memref_slice %arg6[%dma_start3A_702, %dma_start3A_703, %dma_start3A_704] : memref<7x16x1024xf32, #tpu.memory_space<vmem>> -> memref<1x16x1024xf32, #tpu.memory_space<vmem>>
    %dma_start3A_706 = tpu.memref_squeeze %dma_start3A_705 : memref<1x16x1024xf32, #tpu.memory_space<vmem>> -> memref<16x1024xf32, #tpu.memory_space<vmem>>
    %dma_start3A_707 = arith.constant 0 : i32
    %dma_start3A_708 = tpu.memref_slice %arg4[%add3A_701, %dma_start3A_707] : memref<8192x1024xf32, #tpu.memory_space<hbm>> -> memref<16x1024xf32, #tpu.memory_space<hbm>>
    %dma_start3A_709 = arith.constant 0 : i32
    %dma_start3A_710 = tpu.memref_slice %arg4[%add3A_701, %dma_start3A_709] : memref<8192x1024xf32, #tpu.memory_space<hbm>> -> memref<16x1024xf32, #tpu.memory_space<hbm>>
    %dma_start3A_711 = arith.constant 0 : i32
    %dma_start3A_712 = arith.constant 0 : i32
    %dma_start3A_713 = tpu.memref_slice %arg6[%dma_start3A_702, %dma_start3A_711, %dma_start3A_712] : memref<7x16x1024xf32, #tpu.memory_space<vmem>> -> memref<1x16x1024xf32, #tpu.memory_space<vmem>>
    %dma_start3A_714 = tpu.memref_squeeze %dma_start3A_713 : memref<1x16x1024xf32, #tpu.memory_space<vmem>> -> memref<16x1024xf32, #tpu.memory_space<vmem>>
    tpu.enqueue_dma source(%dma_start3A_714 : memref<16x1024xf32, #tpu.memory_space<vmem>>) target(%dma_start3A_710 : memref<16x1024xf32, #tpu.memory_space<hbm>>) target_semaphore(%arg14 : memref<!tpu.dma_semaphore, #tpu.memory_space<semaphore_mem>>)
    %dma_wait3A_715 = arith.constant 15 : i32
    %dma_wait3A_716 = arith.constant 1 : i32
    %dma_wait3A_717 = arith.constant 0 : i32
    %dma_wait3A_718 = arith.constant 0 : i32
    %dma_wait3A_719 = tpu.memref_slice %arg6[%dma_wait3A_716, %dma_wait3A_717, %dma_wait3A_718] : memref<7x16x1024xf32, #tpu.memory_space<vmem>> -> memref<1x16x1024xf32, #tpu.memory_space<vmem>>
    %dma_wait3A_720 = tpu.memref_squeeze %dma_wait3A_719 : memref<1x16x1024xf32, #tpu.memory_space<vmem>> -> memref<16x1024xf32, #tpu.memory_space<vmem>>
    %dma_wait3A_721 = arith.constant 0 : i32
    %dma_wait3A_722 = tpu.memref_slice %arg5[%dma_wait3A_715, %dma_wait3A_721] : memref<16x16xi32, #tpu.memory_space<vmem>> -> memref<1x16xi32, #tpu.memory_space<vmem>>
    %dma_wait3A_723 = tpu.memref_squeeze %dma_wait3A_722 : memref<1x16xi32, #tpu.memory_space<vmem>> -> memref<16xi32, #tpu.memory_space<vmem>>
    %dma_wait3A_724 = arith.constant 0 : i32
    %dma_wait3A_725 = arith.constant 0 : i32
    %dma_wait3A_726 = tpu.memref_slice %arg3[%dma_wait3A_724, %dma_wait3A_725] : memref<8192x1024xf32, #tpu.memory_space<hbm>> -> memref<8192x1024xf32, #tpu.memory_space<hbm>>
    tpu.wait_indirect_dma semaphore(%arg8 : memref<!tpu.dma_semaphore, #tpu.memory_space<semaphore_mem>>) src(%dma_wait3A_726 : memref<8192x1024xf32, #tpu.memory_space<hbm>>) dst(%dma_wait3A_720 : memref<16x1024xf32, #tpu.memory_space<vmem>>)
    %add3A_727 = arith.constant 240 : i32
    %add3A_728 = arith.addi %mul3A_2, %add3A_727 : i32
    %dma_start3A_729 = arith.constant 1 : i32
    %dma_start3A_730 = arith.constant 0 : i32
    %dma_start3A_731 = arith.constant 0 : i32
    %dma_start3A_732 = tpu.memref_slice %arg6[%dma_start3A_729, %dma_start3A_730, %dma_start3A_731] : memref<7x16x1024xf32, #tpu.memory_space<vmem>> -> memref<1x16x1024xf32, #tpu.memory_space<vmem>>
    %dma_start3A_733 = tpu.memref_squeeze %dma_start3A_732 : memref<1x16x1024xf32, #tpu.memory_space<vmem>> -> memref<16x1024xf32, #tpu.memory_space<vmem>>
    %dma_start3A_734 = arith.constant 0 : i32
    %dma_start3A_735 = tpu.memref_slice %arg4[%add3A_728, %dma_start3A_734] : memref<8192x1024xf32, #tpu.memory_space<hbm>> -> memref<16x1024xf32, #tpu.memory_space<hbm>>
    %dma_start3A_736 = arith.constant 0 : i32
    %dma_start3A_737 = tpu.memref_slice %arg4[%add3A_728, %dma_start3A_736] : memref<8192x1024xf32, #tpu.memory_space<hbm>> -> memref<16x1024xf32, #tpu.memory_space<hbm>>
    %dma_start3A_738 = arith.constant 0 : i32
    %dma_start3A_739 = arith.constant 0 : i32
    %dma_start3A_740 = tpu.memref_slice %arg6[%dma_start3A_729, %dma_start3A_738, %dma_start3A_739] : memref<7x16x1024xf32, #tpu.memory_space<vmem>> -> memref<1x16x1024xf32, #tpu.memory_space<vmem>>
    %dma_start3A_741 = tpu.memref_squeeze %dma_start3A_740 : memref<1x16x1024xf32, #tpu.memory_space<vmem>> -> memref<16x1024xf32, #tpu.memory_space<vmem>>
    tpu.enqueue_dma source(%dma_start3A_741 : memref<16x1024xf32, #tpu.memory_space<vmem>>) target(%dma_start3A_737 : memref<16x1024xf32, #tpu.memory_space<hbm>>) target_semaphore(%arg15 : memref<!tpu.dma_semaphore, #tpu.memory_space<semaphore_mem>>)
    %dma_wait3A_742 = arith.constant 2 : i32
    %dma_wait3A_743 = arith.constant 0 : i32
    %dma_wait3A_744 = arith.constant 0 : i32
    %dma_wait3A_745 = tpu.memref_slice %arg6[%dma_wait3A_742, %dma_wait3A_743, %dma_wait3A_744] : memref<7x16x1024xf32, #tpu.memory_space<vmem>> -> memref<1x16x1024xf32, #tpu.memory_space<vmem>>
    %dma_wait3A_746 = tpu.memref_squeeze %dma_wait3A_745 : memref<1x16x1024xf32, #tpu.memory_space<vmem>> -> memref<16x1024xf32, #tpu.memory_space<vmem>>
    %dma_wait3A_747 = arith.constant 0 : i32
    %dma_wait3A_748 = tpu.memref_slice %arg4[%add3A_566, %dma_wait3A_747] : memref<8192x1024xf32, #tpu.memory_space<hbm>> -> memref<16x1024xf32, #tpu.memory_space<hbm>>
    %dma_wait3A_749 = arith.constant 0 : i32
    %dma_wait3A_750 = tpu.memref_slice %arg4[%add3A_566, %dma_wait3A_749] : memref<8192x1024xf32, #tpu.memory_space<hbm>> -> memref<16x1024xf32, #tpu.memory_space<hbm>>
    %dma_wait3A_751 = arith.constant 0 : i32
    %dma_wait3A_752 = arith.constant 0 : i32
    %dma_wait3A_753 = tpu.memref_slice %arg6[%dma_wait3A_742, %dma_wait3A_751, %dma_wait3A_752] : memref<7x16x1024xf32, #tpu.memory_space<vmem>> -> memref<1x16x1024xf32, #tpu.memory_space<vmem>>
    %dma_wait3A_754 = tpu.memref_squeeze %dma_wait3A_753 : memref<1x16x1024xf32, #tpu.memory_space<vmem>> -> memref<16x1024xf32, #tpu.memory_space<vmem>>
    tpu.wait_dma2 semaphore(%arg16 : memref<!tpu.dma_semaphore, #tpu.memory_space<semaphore_mem>>) src(%dma_wait3A_754 : memref<16x1024xf32, #tpu.memory_space<vmem>>) dst(%dma_wait3A_750 : memref<16x1024xf32, #tpu.memory_space<hbm>>)
    %dma_wait3A_755 = arith.constant 3 : i32
    %dma_wait3A_756 = arith.constant 0 : i32
    %dma_wait3A_757 = arith.constant 0 : i32
    %dma_wait3A_758 = tpu.memref_slice %arg6[%dma_wait3A_755, %dma_wait3A_756, %dma_wait3A_757] : memref<7x16x1024xf32, #tpu.memory_space<vmem>> -> memref<1x16x1024xf32, #tpu.memory_space<vmem>>
    %dma_wait3A_759 = tpu.memref_squeeze %dma_wait3A_758 : memref<1x16x1024xf32, #tpu.memory_space<vmem>> -> memref<16x1024xf32, #tpu.memory_space<vmem>>
    %dma_wait3A_760 = arith.constant 0 : i32
    %dma_wait3A_761 = tpu.memref_slice %arg4[%add3A_593, %dma_wait3A_760] : memref<8192x1024xf32, #tpu.memory_space<hbm>> -> memref<16x1024xf32, #tpu.memory_space<hbm>>
    %dma_wait3A_762 = arith.constant 0 : i32
    %dma_wait3A_763 = tpu.memref_slice %arg4[%add3A_593, %dma_wait3A_762] : memref<8192x1024xf32, #tpu.memory_space<hbm>> -> memref<16x1024xf32, #tpu.memory_space<hbm>>
    %dma_wait3A_764 = arith.constant 0 : i32
    %dma_wait3A_765 = arith.constant 0 : i32
    %dma_wait3A_766 = tpu.memref_slice %arg6[%dma_wait3A_755, %dma_wait3A_764, %dma_wait3A_765] : memref<7x16x1024xf32, #tpu.memory_space<vmem>> -> memref<1x16x1024xf32, #tpu.memory_space<vmem>>
    %dma_wait3A_767 = tpu.memref_squeeze %dma_wait3A_766 : memref<1x16x1024xf32, #tpu.memory_space<vmem>> -> memref<16x1024xf32, #tpu.memory_space<vmem>>
    tpu.wait_dma2 semaphore(%arg17 : memref<!tpu.dma_semaphore, #tpu.memory_space<semaphore_mem>>) src(%dma_wait3A_767 : memref<16x1024xf32, #tpu.memory_space<vmem>>) dst(%dma_wait3A_763 : memref<16x1024xf32, #tpu.memory_space<hbm>>)
    %dma_wait3A_768 = arith.constant 4 : i32
    %dma_wait3A_769 = arith.constant 0 : i32
    %dma_wait3A_770 = arith.constant 0 : i32
    %dma_wait3A_771 = tpu.memref_slice %arg6[%dma_wait3A_768, %dma_wait3A_769, %dma_wait3A_770] : memref<7x16x1024xf32, #tpu.memory_space<vmem>> -> memref<1x16x1024xf32, #tpu.memory_space<vmem>>
    %dma_wait3A_772 = tpu.memref_squeeze %dma_wait3A_771 : memref<1x16x1024xf32, #tpu.memory_space<vmem>> -> memref<16x1024xf32, #tpu.memory_space<vmem>>
    %dma_wait3A_773 = arith.constant 0 : i32
    %dma_wait3A_774 = tpu.memref_slice %arg4[%add3A_620, %dma_wait3A_773] : memref<8192x1024xf32, #tpu.memory_space<hbm>> -> memref<16x1024xf32, #tpu.memory_space<hbm>>
    %dma_wait3A_775 = arith.constant 0 : i32
    %dma_wait3A_776 = tpu.memref_slice %arg4[%add3A_620, %dma_wait3A_775] : memref<8192x1024xf32, #tpu.memory_space<hbm>> -> memref<16x1024xf32, #tpu.memory_space<hbm>>
    %dma_wait3A_777 = arith.constant 0 : i32
    %dma_wait3A_778 = arith.constant 0 : i32
    %dma_wait3A_779 = tpu.memref_slice %arg6[%dma_wait3A_768, %dma_wait3A_777, %dma_wait3A_778] : memref<7x16x1024xf32, #tpu.memory_space<vmem>> -> memref<1x16x1024xf32, #tpu.memory_space<vmem>>
    %dma_wait3A_780 = tpu.memref_squeeze %dma_wait3A_779 : memref<1x16x1024xf32, #tpu.memory_space<vmem>> -> memref<16x1024xf32, #tpu.memory_space<vmem>>
    tpu.wait_dma2 semaphore(%arg18 : memref<!tpu.dma_semaphore, #tpu.memory_space<semaphore_mem>>) src(%dma_wait3A_780 : memref<16x1024xf32, #tpu.memory_space<vmem>>) dst(%dma_wait3A_776 : memref<16x1024xf32, #tpu.memory_space<hbm>>)
    %dma_wait3A_781 = arith.constant 5 : i32
    %dma_wait3A_782 = arith.constant 0 : i32
    %dma_wait3A_783 = arith.constant 0 : i32
    %dma_wait3A_784 = tpu.memref_slice %arg6[%dma_wait3A_781, %dma_wait3A_782, %dma_wait3A_783] : memref<7x16x1024xf32, #tpu.memory_space<vmem>> -> memref<1x16x1024xf32, #tpu.memory_space<vmem>>
    %dma_wait3A_785 = tpu.memref_squeeze %dma_wait3A_784 : memref<1x16x1024xf32, #tpu.memory_space<vmem>> -> memref<16x1024xf32, #tpu.memory_space<vmem>>
    %dma_wait3A_786 = arith.constant 0 : i32
    %dma_wait3A_787 = tpu.memref_slice %arg4[%add3A_647, %dma_wait3A_786] : memref<8192x1024xf32, #tpu.memory_space<hbm>> -> memref<16x1024xf32, #tpu.memory_space<hbm>>
    %dma_wait3A_788 = arith.constant 0 : i32
    %dma_wait3A_789 = tpu.memref_slice %arg4[%add3A_647, %dma_wait3A_788] : memref<8192x1024xf32, #tpu.memory_space<hbm>> -> memref<16x1024xf32, #tpu.memory_space<hbm>>
    %dma_wait3A_790 = arith.constant 0 : i32
    %dma_wait3A_791 = arith.constant 0 : i32
    %dma_wait3A_792 = tpu.memref_slice %arg6[%dma_wait3A_781, %dma_wait3A_790, %dma_wait3A_791] : memref<7x16x1024xf32, #tpu.memory_space<vmem>> -> memref<1x16x1024xf32, #tpu.memory_space<vmem>>
    %dma_wait3A_793 = tpu.memref_squeeze %dma_wait3A_792 : memref<1x16x1024xf32, #tpu.memory_space<vmem>> -> memref<16x1024xf32, #tpu.memory_space<vmem>>
    tpu.wait_dma2 semaphore(%arg19 : memref<!tpu.dma_semaphore, #tpu.memory_space<semaphore_mem>>) src(%dma_wait3A_793 : memref<16x1024xf32, #tpu.memory_space<vmem>>) dst(%dma_wait3A_789 : memref<16x1024xf32, #tpu.memory_space<hbm>>)
    %dma_wait3A_794 = arith.constant 6 : i32
    %dma_wait3A_795 = arith.constant 0 : i32
    %dma_wait3A_796 = arith.constant 0 : i32
    %dma_wait3A_797 = tpu.memref_slice %arg6[%dma_wait3A_794, %dma_wait3A_795, %dma_wait3A_796] : memref<7x16x1024xf32, #tpu.memory_space<vmem>> -> memref<1x16x1024xf32, #tpu.memory_space<vmem>>
    %dma_wait3A_798 = tpu.memref_squeeze %dma_wait3A_797 : memref<1x16x1024xf32, #tpu.memory_space<vmem>> -> memref<16x1024xf32, #tpu.memory_space<vmem>>
    %dma_wait3A_799 = arith.constant 0 : i32
    %dma_wait3A_800 = tpu.memref_slice %arg4[%add3A_674, %dma_wait3A_799] : memref<8192x1024xf32, #tpu.memory_space<hbm>> -> memref<16x1024xf32, #tpu.memory_space<hbm>>
    %dma_wait3A_801 = arith.constant 0 : i32
    %dma_wait3A_802 = tpu.memref_slice %arg4[%add3A_674, %dma_wait3A_801] : memref<8192x1024xf32, #tpu.memory_space<hbm>> -> memref<16x1024xf32, #tpu.memory_space<hbm>>
    %dma_wait3A_803 = arith.constant 0 : i32
    %dma_wait3A_804 = arith.constant 0 : i32
    %dma_wait3A_805 = tpu.memref_slice %arg6[%dma_wait3A_794, %dma_wait3A_803, %dma_wait3A_804] : memref<7x16x1024xf32, #tpu.memory_space<vmem>> -> memref<1x16x1024xf32, #tpu.memory_space<vmem>>
    %dma_wait3A_806 = tpu.memref_squeeze %dma_wait3A_805 : memref<1x16x1024xf32, #tpu.memory_space<vmem>> -> memref<16x1024xf32, #tpu.memory_space<vmem>>
    tpu.wait_dma2 semaphore(%arg20 : memref<!tpu.dma_semaphore, #tpu.memory_space<semaphore_mem>>) src(%dma_wait3A_806 : memref<16x1024xf32, #tpu.memory_space<vmem>>) dst(%dma_wait3A_802 : memref<16x1024xf32, #tpu.memory_space<hbm>>)
    %dma_wait3A_807 = arith.constant 0 : i32
    %dma_wait3A_808 = arith.constant 0 : i32
    %dma_wait3A_809 = arith.constant 0 : i32
    %dma_wait3A_810 = tpu.memref_slice %arg6[%dma_wait3A_807, %dma_wait3A_808, %dma_wait3A_809] : memref<7x16x1024xf32, #tpu.memory_space<vmem>> -> memref<1x16x1024xf32, #tpu.memory_space<vmem>>
    %dma_wait3A_811 = tpu.memref_squeeze %dma_wait3A_810 : memref<1x16x1024xf32, #tpu.memory_space<vmem>> -> memref<16x1024xf32, #tpu.memory_space<vmem>>
    %dma_wait3A_812 = arith.constant 0 : i32
    %dma_wait3A_813 = tpu.memref_slice %arg4[%add3A_701, %dma_wait3A_812] : memref<8192x1024xf32, #tpu.memory_space<hbm>> -> memref<16x1024xf32, #tpu.memory_space<hbm>>
    %dma_wait3A_814 = arith.constant 0 : i32
    %dma_wait3A_815 = tpu.memref_slice %arg4[%add3A_701, %dma_wait3A_814] : memref<8192x1024xf32, #tpu.memory_space<hbm>> -> memref<16x1024xf32, #tpu.memory_space<hbm>>
    %dma_wait3A_816 = arith.constant 0 : i32
    %dma_wait3A_817 = arith.constant 0 : i32
    %dma_wait3A_818 = tpu.memref_slice %arg6[%dma_wait3A_807, %dma_wait3A_816, %dma_wait3A_817] : memref<7x16x1024xf32, #tpu.memory_space<vmem>> -> memref<1x16x1024xf32, #tpu.memory_space<vmem>>
    %dma_wait3A_819 = tpu.memref_squeeze %dma_wait3A_818 : memref<1x16x1024xf32, #tpu.memory_space<vmem>> -> memref<16x1024xf32, #tpu.memory_space<vmem>>
    tpu.wait_dma2 semaphore(%arg14 : memref<!tpu.dma_semaphore, #tpu.memory_space<semaphore_mem>>) src(%dma_wait3A_819 : memref<16x1024xf32, #tpu.memory_space<vmem>>) dst(%dma_wait3A_815 : memref<16x1024xf32, #tpu.memory_space<hbm>>)
    %dma_wait3A_820 = arith.constant 1 : i32
    %dma_wait3A_821 = arith.constant 0 : i32
    %dma_wait3A_822 = arith.constant 0 : i32
    %dma_wait3A_823 = tpu.memref_slice %arg6[%dma_wait3A_820, %dma_wait3A_821, %dma_wait3A_822] : memref<7x16x1024xf32, #tpu.memory_space<vmem>> -> memref<1x16x1024xf32, #tpu.memory_space<vmem>>
    %dma_wait3A_824 = tpu.memref_squeeze %dma_wait3A_823 : memref<1x16x1024xf32, #tpu.memory_space<vmem>> -> memref<16x1024xf32, #tpu.memory_space<vmem>>
    %dma_wait3A_825 = arith.constant 0 : i32
    %dma_wait3A_826 = tpu.memref_slice %arg4[%add3A_728, %dma_wait3A_825] : memref<8192x1024xf32, #tpu.memory_space<hbm>> -> memref<16x1024xf32, #tpu.memory_space<hbm>>
    %dma_wait3A_827 = arith.constant 0 : i32
    %dma_wait3A_828 = tpu.memref_slice %arg4[%add3A_728, %dma_wait3A_827] : memref<8192x1024xf32, #tpu.memory_space<hbm>> -> memref<16x1024xf32, #tpu.memory_space<hbm>>
    %dma_wait3A_829 = arith.constant 0 : i32
    %dma_wait3A_830 = arith.constant 0 : i32
    %dma_wait3A_831 = tpu.memref_slice %arg6[%dma_wait3A_820, %dma_wait3A_829, %dma_wait3A_830] : memref<7x16x1024xf32, #tpu.memory_space<vmem>> -> memref<1x16x1024xf32, #tpu.memory_space<vmem>>
    %dma_wait3A_832 = tpu.memref_squeeze %dma_wait3A_831 : memref<1x16x1024xf32, #tpu.memory_space<vmem>> -> memref<16x1024xf32, #tpu.memory_space<vmem>>
    tpu.wait_dma2 semaphore(%arg15 : memref<!tpu.dma_semaphore, #tpu.memory_space<semaphore_mem>>) src(%dma_wait3A_832 : memref<16x1024xf32, #tpu.memory_space<vmem>>) dst(%dma_wait3A_828 : memref<16x1024xf32, #tpu.memory_space<hbm>>)
    return
  }
}

</mosaic_0001>

<sc_bundles>
// kernel: kernel.3.cloned.1.call-start
scs
__scs_entry_jumppad:
0x0: {  	(pc) =	sbr.rel $0x88, $3  }
0x1: {  	(tag) =	ssettag $0x0;
	lr =	simm.s32 $0x1  }
0x2: {  	[smem:$0x3F9F] =	sst lr;
	_ =	strace $0xD0000000  }
0x3: {  	_ = 	snop  }
0x4: {  	_ = 	snop  }
0x5: {  	_ = 	snop  }
0x6: {  	_ = 	snop  }
0x7: {  	_ = 	snop  }
__scs_overlays_trampoline_lowered:
0x8: {  	[smem:$0x3FAE] =	sst s0  }
0x9: {  	[smem:$0x3FAF] =	sst s1  }
0xa: {  	[smem:$0x3FB0] =	sst s2  }
0xb: {  	[smem:$0x3FB1] =	sst s3  }
0xc: {  	[smem:$0x3FB2] =	sst s4  }
0xd: {  	[smem:$0x3FB3] =	sst s5  }
0xe: {  	[smem:$0x3FB4] =	sst s6  }
0xf: {  	[smem:$0x3FB5] =	sst s7  }
0x10: {  	[smem:$0x3FB6] =	sst s8  }
0x11: {  	[smem:$0x3FB7] =	sst s9;
	s0 =	simm.s32 @!p0 $0x0  }
0x12: {  	s1 =	sld [smem:$0x3F9D];
	s0 =	simm.s32 @p0 $0x1  }
0x13: {  	[smem:$0x3FB8] =	sst s0;
	s0 =	simm.s32 @!p1 $0x0  }
0x14: {  	s2 =	sld [smem:$0x3F9C];
	s0 =	simm.s32 @p1 $0x1  }
0x15: {  	[smem:$0x3FB9] =	sst s0;
	s0 =	simm.s32 @!p2 $0x0  }
0x16: {  	s3 =	sld [smem:$0x3FDB];
	s0 =	simm.s32 @p2 $0x1  }
0x17: {  	s4 =	simm.s32 $0x1BF5;
	[smem:$0x3FBB] =	sst s0  }
0x18: {  	s0 =	sld [smem:$0x3F9E];
	_ =	swait.ge [sflag:s4], $0x0  }
0x19: {  	s7 =	sld [smem:$0x3F9F]  }
0x1a: {  	s8 =	sadd.s32 $0xFFFFE003, lr  }
0x1b: {  	s9 =	sadd.s32 $0xFFFFFEF7, lr;
	s5 =	simm.s32 $0xFFFFFFFF;
	p2 =	slt.u32 s8, $0xFFFFF086  }
0x1c: {  	p1 =	slt.u32 s9, $0xF7A;
	s5 =	simm.s32 @!p2 $0x0  }
0x1d: {  	s5 =	simm.s32 @p1 $0x1;
	p0 =	seq.s32 s7, s2  }
0x1e: {  	s7 =	smul.u32 @!p0 $0xF7A, s2;
	p2 =	seq.s32 @!p0 s5, $0x0  }
0x1f: {  	s9 =	smul.u32 $0xF7A, s1;
	s8 =	simm.s32 @!p0 $0x1BF5;
	p2 =	por !p2, p0  }
0x20: {  	[sflag:s8] =	ssyncset.s32 @!p0 $0xFFFFF086;
	s6 =	sadd.s32 @!p0 s3, s7;
	s7 =	simm.s32 @!p0 $0x108  }
0x21: {  	s3 =	sadd.s32 s3, s9;
	s6 =	sadd.s32 @!p0 $0x88, s6;
	s7 =	simm.s32 @p2 $0x1082  }
0x22: {  	[simem:s7], [sflag:s8] =	dma.local @!p0 [hbm:s6], $0xF7A  }
0x23: {  	s9 =	sor.u32 $0xD0000000, s2;
	s6 =	simm.s32 $0x108;
	_ =	swait.ge @!p0 [sflag:s8], $0x0  }
0x24: {  	s3 =	sadd.s32 $0x88, s3;
	s6 =	simm.s32 @!p1 $0x1082;
	[sflag:s4] =	ssyncset.s32 $0xFFFFF086  }
0x25: {  	[simem:s6], [sflag:s4] =	dma.local [hbm:s3], $0xF7A  }
0x26: {  	[smem:$0x3F9F] =	sst s1;
	(tag) =	ssettag s2;
	_ =	strace s9  }
0x27: {  	s1 =	sld [smem:$0x3FAF]  }
0x28: {  	s2 =	sld [smem:$0x3FB0]  }
0x29: {  	s4 =	sld [smem:$0x3FB2]  }
0x2a: {  	p0 =	seq.s32 s5, $0x0;
	s5 =	sld [smem:$0x3FB3]  }
0x2b: {  	s6 =	sld [smem:$0x3FB4]  }
0x2c: {  	s7 =	sld [smem:$0x3FB5]  }
0x2d: {  	s3 =	simm.s32 $0x108;
	s8 =	sld [smem:$0x3FB6]  }
0x2e: {  	s3 =	simm.s32 @!p0 $0x1082;
	s9 =	sld [smem:$0x3FB7]  }
0x2f: {  	lr =	sadd.s32 s0, s3;
	s0 =	sld [smem:$0x3FAE]  }
0x30: {  	s3 =	sld [smem:$0x3FB1]  }
0x31: {  	[smem:$0x3FBA] =	sst s10  }
0x32: {  	s10 =	sld [smem:$0x3FB8];
	_ =	sdelay $0x3  }
0x33: {  	p0 =	seq.s32 s10, $0x1;
	s10 =	sld [smem:$0x3FBA];
	_ =	sdelay $0x3  }
0x34: {  	[smem:$0x3FBA] =	sst s10  }
0x35: {  	s10 =	sld [smem:$0x3FB9];
	_ =	sdelay $0x3  }
0x36: {  	p1 =	seq.s32 s10, $0x1;
	s10 =	sld [smem:$0x3FBA];
	_ =	sdelay $0x3  }
0x37: {  	[smem:$0x3FBA] =	sst s10  }
0x38: {  	s10 =	sld [smem:$0x3FBB]  }
0x39: {  	_ = 	snop;
	(pc) =	sbr.ind lr, $3  }
0x3a: {  	_ = 	snop  }
0x3b: {  	_ = 	snop  }
0x3c: {  	p2 =	seq.s32 s10, $0x1;
	s10 =	sld [smem:$0x3FBA]  }
0x3d: {  	_ =	shalt  }
0x3e: {  	_ =	shalt  }
0x3f: {  	_ =	shalt  }
0x40: {  	_ =	shalt  }
0x41: {  	_ =	shalt  }
0x42: {  	_ =	shalt  }
0x43: {  	_ =	shalt  }
0x44: {  	_ =	shalt  }
0x45: {  	_ =	shalt  }
0x46: {  	_ =	shalt  }
0x47: {  	_ =	shalt  }
0x48: {  	_ =	shalt  }
0x49: {  	_ =	shalt  }
0x4a: {  	_ =	shalt  }
0x4b: {  	_ =	shalt  }
0x4c: {  	_ =	shalt  }
0x4d: {  	_ =	shalt  }
0x4e: {  	_ =	shalt  }
0x4f: {  	_ =	shalt  }
0x50: {  	_ =	shalt  }
0x51: {  	_ =	shalt  }
0x52: {  	_ =	shalt  }
0x53: {  	_ =	shalt  }
0x54: {  	_ =	shalt  }
0x55: {  	_ =	shalt  }
0x56: {  	_ =	shalt  }
0x57: {  	_ =	shalt  }
0x58: {  	_ =	shalt  }
0x59: {  	_ =	shalt  }
0x5a: {  	_ =	shalt  }
0x5b: {  	_ =	shalt  }
0x5c: {  	_ =	shalt  }
0x5d: {  	_ =	shalt  }
0x5e: {  	_ =	shalt  }
0x5f: {  	_ =	shalt  }
0x60: {  	_ =	shalt  }
0x61: {  	_ =	shalt  }
0x62: {  	_ =	shalt  }
0x63: {  	_ =	shalt  }
0x64: {  	_ =	shalt  }
0x65: {  	_ =	shalt  }
0x66: {  	_ =	shalt  }
0x67: {  	_ =	shalt  }
0x68: {  	_ =	shalt  }
0x69: {  	_ =	shalt  }
0x6a: {  	_ =	shalt  }
0x6b: {  	_ =	shalt  }
0x6c: {  	_ =	shalt  }
0x6d: {  	_ =	shalt  }
0x6e: {  	_ =	shalt  }
0x6f: {  	_ =	shalt  }
0x70: {  	_ =	shalt  }
0x71: {  	_ =	shalt  }
0x72: {  	_ =	shalt  }
0x73: {  	_ =	shalt  }
0x74: {  	_ =	shalt  }
0x75: {  	_ =	shalt  }
0x76: {  	_ =	shalt  }
0x77: {  	_ =	shalt  }
0x78: {  	_ =	shalt  }
0x79: {  	_ =	shalt  }
0x7a: {  	_ =	shalt  }
0x7b: {  	_ =	shalt  }
0x7c: {  	_ =	shalt  }
0x7d: {  	_ =	shalt  }
0x7e: {  	_ =	shalt  }
0x7f: {  	_ =	shalt  }
0x80: {  	_ =	shalt  }
0x81: {  	_ =	shalt  }
0x82: {  	_ =	shalt  }
0x83: {  	_ =	shalt  }
0x84: {  	_ =	shalt  }
0x85: {  	_ =	shalt  }
0x86: {  	_ =	shalt  }
0x87: {  	_ =	shalt  }
.Lfunc_end0:
.L_simem_size_0:
called_computation_lowered:
.L_overlay_start_0:
0x88: {  	s2 =	sld [smem:$0x3FD9]  }
0x89: {  	s3 =	sld [smem:$0x3FFE];
	_ =	sdelay $0x1  }
0x8a: {  	s1 =	srdreg.scid  }
0x8b: {  	s0 =	sand.u32 $0x1, s1  }
0x8c: {  	s17 =	sshll.u32 s0, $0xA;
	s2 =	sadd.s32 s3, s2  }
0x8d: {  	s2 =	sadd.s32 s2, s17  }
0x8e: {  	[smem:$0x3FC6] =	sst s2  }
0x8f: {  	_ = 	snop  }
0x90: {  	s2 =	sld [smem:$0x3FC8]  }
0x91: {  	s18 =	sld [smem:$0x3FD0];
	(tm) =	ssettm $0x1  }
0x92: {  	s4 =	sld [smem:$0x3FFB];
	_ =	sdelay $0x3  }
0x93: {  	_ =	strace s4  }
0x94: {  	s4 =	sld [smem:$0x3FFC];
	_ =	sdelay $0x3  }
0x95: {  	_ =	strace s4  }
0x96: {  	s4 =	sld [smem:$0x3FFD];
	_ =	sdelay $0x3  }
0x97: {  	_ =	strace s4  }
0x98: {  	_ =	strace $0x8FFFFFFF  }
0x99: {  	s19 =	sld [smem:$0x3FDB];
	_ =	sdelay $0x1  }
0x9a: {  	s5 =	simm.s32 $_scs_section_size  }
0x9b: {  	s6 =	simm.s32 $_size__tile_overlayer_lowered;
	s7 =	simm.s32 $_tile_overlayer_lowered  }
0x9c: {  	s22 =	simm.s32 $0x1BFF;
	s21 =	sshll.u32 s7, $0x1;
	s4 =	sadd.s32 s5, s19  }
0x9d: {  	s8 =	simm.s32 $0x0;
	s20 =	sshll.u32 s6, $0x1;
	s6 =	sadd.s32 s21, s4  }
0x9e: {  	[timem:s8], [sflag:s22] =	dma.local [hbm:s6], s20  }
0x9f: {  	_ =	swait.ge [sflag:s22], s20  }
0xa0: {  	s5 =	ssub.s32 $0x0, s20;
	[sflag:s22] =	ssyncset.done $0x0  }
0xa1: {  	[sflag:s22] =	ssyncadd.s32 s5;
	_ =	sdelay $0x1  }
0xa2: {  	s23 =	simm.s32 $0x1B8B  }
0xa3: {  	_ =	swait.ge [sflag:s23], $0x1  }
0xa4: {  	[sflag:s23] =	ssyncset.done $0x0  }
0xa5: {  	s25 =	simm.s32 $0x1B8E;
	s24 =	sld [smem:$0x3FFE];
	[sflag:s23] =	ssyncadd.s32 $0xFFFFFFFF  }
0xa6: {  	s26 =	simm.s32 $execute0_lowered;
	[smem:$0x3FD2] =	sst s25  }
0xa7: {  	s6 =	sshll.u32 s26, $0x1;
	_ =	strace $0x80000046;
	[dreg:$0x1] =	wrdreg $0xFFFFFFFF  }
0xa8: {  	s28 =	simm.s32 $_size_execute0_lowered;
	s4 =	sadd.s32 s4, s6;
	[dreg:$0x0] =	wrdreg $0x0  }
0xa9: {  	s6 =	sshll.u32 s28, $0x1;
	[dreg:$0x2] =	wrdreg s4  }
0xaa: {  	[dreg:$0x3] =	wrdreg s6  }
0xab: {  	[dreg:$0x4] =	wrdreg $0xC0  }
0xac: {  	_ =	task [dreg:s8], $0x5FFFF  }
0xad: {  	[dreg:$0x1] =	wrdreg $0xFFFFFFFF  }
0xae: {  	[dreg:$0x0] =	wrdreg $0x60  }
0xaf: {  	[dreg:$0x2] =	wrdreg s24  }
0xb0: {  	[dreg:$0x3] =	wrdreg s2  }
0xb1: {  	[dreg:$0x4] =	wrdreg s18  }
0xb2: {  	[dreg:$0x5] =	wrdreg $0x9  }
0xb3: {  	_ =	task.clear_ibuf [dreg:s8], $0x6FFFF;
	_ =	strace $0x90000046  }
0xb4: {  	s29 =	simm.s32 $0x9;
	_ =	strace $0x80000048  }
0xb5: {  	_ =	swait.ge [sflag:s29], $0x1  }
0xb6: {  	[sflag:s29] =	ssyncadd.s32 $0xFFFFFFFF  }
0xb7: {  	_ =	strace $0x90000048  }
0xb8: {  	_ =	sfence  }
0xb9: {  	s30 =	sld [smem:$0x0];
	_ =	sdelay $0x2  }
0xba: {  	s31 =	sshll.u32 s1, $0xD;
	s1 =	sshrl.u32 s1, $0x2  }
0xbb: {  	s3 =	sand.u32 $0x4000, s31;
	s1 =	sadd.s32 s1, s30  }
0xbc: {  	s0 =	sor.u32 s3, s0;
	s1 =	sshll.u32 s1, $0x11  }
0xbd: {  	s0 =	sor.u32 s1, s0  }
0xbe: {  	s0 =	sadd.s32 $0x8F2B, s0  }
0xbf: {  	[sflag:s0] =	ssyncadd.remote.s32 $0x1  }
0xc0: {  	_ =	sfence.sel $0xFFFF  }
0xc1: {  	[dreg:$0x0] =	wrdreg $0xFFFFFFFF;
	(pc) =	sbr.abs _section_cstart, $3  }
0xc2: {  	[dreg:$0x1] =	wrdreg $0xFFFFFFFF  }
0xc3: {  	_ =	task.clear_ibuf [dreg:s8], $0x2FFFF;
	_ =	strace $0x9FFFFFFF  }
0xc4: {  	(tm) =	ssettm $0x7FFFFFFF  }
0xc5: {  	_ =	shalt  }
tec
execute0_lowered:
.L_overlay_start_1:
0x0: {  	(tag) =	ssettag $0x1  }
0x1: {  	s0 =	rddreg [dreg:$0x0]  }
0x2: {  	s1 =	srdreg.scid;
	s3 =	stileid.u32  }
0x3: {  	s2 =	rddreg [dreg:$0x1];
	s1 =	sand.u32 $0x1, s1;
	s3 =	sshll.u32 s3, $0x1  }
0x4: {  	s4 =	rddreg [dreg:$0x2];
	s5 =	sor.u32 s1, s3  }
0x5: {  	s3 =	simm.s32 $0x0;
	s6 =	sshll.u32 s5, $0x8;
	s5 =	sshll.u32 s5, $0xF  }
0x6: {  	[smem:$0x7FF] =	sst s3;
	s0 =	sadd.s32 s6, s0;
	s10 =	sadd.s32 s4, s5  }
0x7: {  	_ =	strace $0x80000047;
	s0 =	sadd.s32 $0x400, s0;
	[dreg:$0x14] =	wrdreg s10  }
0x8: {  	s11 =	sadd.s32 $0x800, s10;
	[dreg:$0x4] =	wrdreg s0  }
0x9: {  	s12 =	sadd.s32 $0x1000, s10;
	[dreg:$0x5] =	wrdreg s11  }
0xa: {  	s31 =	simm.s32 $0x1;
	s13 =	sadd.s32 $0x1800, s10;
	[dreg:$0x6] =	wrdreg s12  }
0xb: {  	s30 =	simm.s32 $0x8;
	s14 =	sadd.s32 $0x2000, s10;
	[dreg:$0x7] =	wrdreg s13  }
0xc: {  	s9 =	simm.s32 $0x9;
	s15 =	sadd.s32 $0x2800, s10;
	[dreg:$0x8] =	wrdreg s14  }
0xd: {  	s28 =	simm.s32 $0x9000;
	s16 =	sadd.s32 $0x3000, s10;
	[dreg:$0x9] =	wrdreg s15  }
0xe: {  	s29 =	simm.s32 $0xC000;
	s17 =	sadd.s32 $0x3800, s10;
	[dreg:$0xa] =	wrdreg s16  }
0xf: {  	s7 =	sadd.s32 $0x300, s2;
	s18 =	sadd.s32 $0x4000, s10;
	[dreg:$0xb] =	wrdreg s17  }
0x10: {  	s1 =	ssub.s32 $0x2, s1;
	s19 =	sadd.s32 $0x4800, s10;
	[dreg:$0xc] =	wrdreg s18  }
0x11: {  	s23 =	sshrl.u32 s1, $0x1;
	s20 =	sadd.s32 $0x5000, s10;
	[dreg:$0xd] =	wrdreg s19  }
0x12: {  	s1 =	ssub.s32 s1, s23;
	s21 =	sadd.s32 $0x5800, s10;
	[dreg:$0xe] =	wrdreg s20  }
0x13: {  	s5 =	sadd.s32 $0x100, s2;
	s22 =	sadd.s32 $0x6000, s10;
	[dreg:$0xf] =	wrdreg s21  }
0x14: {  	s6 =	sadd.s32 $0x200, s2;
	s24 =	sadd.s32 $0x6800, s10;
	[dreg:$0x10] =	wrdreg s22  }
0x15: {  	s4 =	simm.s32 $0x2;
	s25 =	sadd.s32 $0x7000, s10;
	[dreg:$0x11] =	wrdreg s24  }
0x16: {  	v2 =	vlaneseq.u32;
	s26 =	sadd.s32 $0x7800, s10;
	s8 =	smax.u32 s1, $0x1;
	[dreg:$0x12] =	wrdreg s25  }
0x17: {  	vm0 =	vmmov $0xffff;
	v1 =	vshrl.u32 v2, $0x3;
	s10 =	simm.s32 $0x4800;
	[dreg:$0x13] =	wrdreg s26;
	s18 =	simm.s32 $0x800  }
0x18: {  	v0 =	vand.u32 $0x7, v2;
	v2 =	vor.u32 $0x8, v2;
	v1 =	vmul.u32 $0x8, v1;
	s25 =	simm.s32 $0xB000;
	s26 =	simm.s32 $0xB800;
	s12 =	simm.s32 $0x18800  }
.LBB2_1:
0x19: {  	s22 =	rddreg [dreg:$0x4];
	s16 =	simm.s32 $0xF  }
0x1a: {  	[tilespmem:s3], [sflag:$0xF] =	stream.linear.gather [hbm4b:s22+s3], $0x800, $0x38;
	[tilespmem:$0x1C800] =	vst v63  }
0x1b: {  	_ =	swait.ge [sflag:s16], $0x800  }
0x1c: {  	[sflag:s16] =	ssyncset.done $0x0  }
0x1d: {  	[sflag:s16] =	ssyncadd.s32 $0xFFFFF800  }
0x1e: {  	v3 =	vld [tilespmem:$0x0];
	_ =	sdelay $0x4  }
0x1f: {  	v4 =	vshll.u32 v3, $0x3  }
0x20: {  	v3 =	vand.u32 $0x7, v3;
	v4 =	vand.u32 $0xFFFFFFC0, v4  }
0x21: {  	v3 =	vor.u32 v3, v4  }
0x22: {  	v4 =	vperm.xlane v3, v0;
	_ =	sdelay $0x1  }
0x23: {  	v4 =	vadd.s32 v1, v4;
	_ =	sdelay $0x4  }
0x24: {  	[tilespmem:s18], [sflag:$0x1] =	stream.indirect_vreg.gather [hbm4b:s2+s3], $0x80, v4, vm0, $0xb8;
	[tilespmem:$0x1C800] =	vst v63  }
0x25: {  	s0 =	simm.s32 $0x1000;
	v3 =	vperm.xlane v3, v2  }
0x26: {  	[tilespmem:s0], [sflag:$0x1] =	stream.indirect_vreg.gather [hbm4b:s5+s3], $0x80, v4, vm0, $0xb8;
	[tilespmem:$0x1C800] =	vst v63  }
0x27: {  	s17 =	simm.s32 $0x1800;
	v3 =	vadd.s32 v1, v3  }
0x28: {  	[tilespmem:s17], [sflag:$0x1] =	stream.indirect_vreg.gather [hbm4b:s6+s3], $0x80, v4, vm0, $0xb8;
	[tilespmem:$0x1C800] =	vst v63  }
0x29: {  	s19 =	simm.s32 $0x2000  }
0x2a: {  	[tilespmem:s19], [sflag:$0x1] =	stream.indirect_vreg.gather [hbm4b:s7+s3], $0x80, v4, vm0, $0xb8;
	[tilespmem:$0x1C800] =	vst v63  }
0x2b: {  	s20 =	simm.s32 $0x2800  }
0x2c: {  	[tilespmem:s20], [sflag:$0x1] =	stream.indirect_vreg.gather [hbm4b:s2+s3], $0x80, v3, vm0, $0xb8;
	[tilespmem:$0x1C800] =	vst v63  }
0x2d: {  	s21 =	simm.s32 $0x3000  }
0x2e: {  	[tilespmem:s21], [sflag:$0x1] =	stream.indirect_vreg.gather [hbm4b:s5+s3], $0x80, v3, vm0, $0xb8;
	[tilespmem:$0x1C800] =	vst v63  }
0x2f: {  	s22 =	simm.s32 $0x3800  }
0x30: {  	[tilespmem:s22], [sflag:$0x1] =	stream.indirect_vreg.gather [hbm4b:s6+s3], $0x80, v3, vm0, $0xb8;
	[tilespmem:$0x1C800] =	vst v63  }
0x31: {  	s23 =	simm.s32 $0x4000  }
0x32: {  	[tilespmem:s23], [sflag:$0x1] =	stream.indirect_vreg.gather [hbm4b:s7+s3], $0x80, v3, vm0, $0xb8;
	[tilespmem:$0x1C800] =	vst v63  }
0x33: {  	v3 =	vld [tilespmem:$0x80];
	_ =	sdelay $0x4  }
0x34: {  	v49 =	vshll.u32 v3, $0x3  }
0x35: {  	v3 =	vand.u32 $0x7, v3;
	v4 =	vand.u32 $0xFFFFFFC0, v49  }
0x36: {  	v3 =	vor.u32 v3, v4  }
0x37: {  	v4 =	vperm.xlane v3, v0;
	_ =	sdelay $0x1  }
0x38: {  	v4 =	vadd.s32 v1, v4;
	_ =	sdelay $0x4  }
0x39: {  	[tilespmem:s10], [sflag:$0x2] =	stream.indirect_vreg.gather [hbm4b:s2+s3], $0x80, v4, vm0, $0xb8;
	[tilespmem:$0x1C800] =	vst v63  }
0x3a: {  	s24 =	simm.s32 $0x5000;
	v3 =	vperm.xlane v3, v2  }
0x3b: {  	[tilespmem:s24], [sflag:$0x2] =	stream.indirect_vreg.gather [hbm4b:s5+s3], $0x80, v4, vm0, $0xb8;
	[tilespmem:$0x1C800] =	vst v63  }
0x3c: {  	s11 =	simm.s32 $0x5800;
	v3 =	vadd.s32 v1, v3  }
0x3d: {  	[tilespmem:s11], [sflag:$0x2] =	stream.indirect_vreg.gather [hbm4b:s6+s3], $0x80, v4, vm0, $0xb8;
	[tilespmem:$0x1C800] =	vst v63  }
0x3e: {  	s13 =	simm.s32 $0x6000  }
0x3f: {  	[tilespmem:s13], [sflag:$0x2] =	stream.indirect_vreg.gather [hbm4b:s7+s3], $0x80, v4, vm0, $0xb8;
	[tilespmem:$0x1C800] =	vst v63  }
0x40: {  	s14 =	simm.s32 $0x6800  }
0x41: {  	[tilespmem:s14], [sflag:$0x2] =	stream.indirect_vreg.gather [hbm4b:s2+s3], $0x80, v3, vm0, $0xb8;
	[tilespmem:$0x1C800] =	vst v63  }
0x42: {  	s15 =	simm.s32 $0x7000  }
0x43: {  	[tilespmem:s15], [sflag:$0x2] =	stream.indirect_vreg.gather [hbm4b:s5+s3], $0x80, v3, vm0, $0xb8;
	[tilespmem:$0x1C800] =	vst v63  }
0x44: {  	s16 =	simm.s32 $0x7800  }
0x45: {  	[tilespmem:s16], [sflag:$0x2] =	stream.indirect_vreg.gather [hbm4b:s6+s3], $0x80, v3, vm0, $0xb8;
	[tilespmem:$0x1C800] =	vst v63  }
0x46: {  	s17 =	simm.s32 $0x8000  }
0x47: {  	[tilespmem:s17], [sflag:$0x2] =	stream.indirect_vreg.gather [hbm4b:s7+s3], $0x80, v3, vm0, $0xb8;
	[tilespmem:$0x1C800] =	vst v63  }
0x48: {  	v3 =	vld [tilespmem:$0x100];
	_ =	sdelay $0x4  }
0x49: {  	v50 =	vshll.u32 v3, $0x3  }
0x4a: {  	v3 =	vand.u32 $0x7, v3;
	v4 =	vand.u32 $0xFFFFFFC0, v50  }
0x4b: {  	v3 =	vor.u32 v3, v4  }
0x4c: {  	v4 =	vperm.xlane v3, v0;
	_ =	sdelay $0x1  }
0x4d: {  	v4 =	vadd.s32 v1, v4;
	_ =	sdelay $0x3  }
0x4e: {  	s19 =	simm.s32 $0x8800  }
0x4f: {  	[tilespmem:s19], [sflag:$0x3] =	stream.indirect_vreg.gather [hbm4b:s2+s3], $0x80, v4, vm0, $0xb8;
	[tilespmem:$0x1C800] =	vst v63  }
0x50: {  	v3 =	vperm.xlane v3, v2  }
0x51: {  	[tilespmem:s28], [sflag:$0x3] =	stream.indirect_vreg.gather [hbm4b:s5+s3], $0x80, v4, vm0, $0xb8;
	[tilespmem:$0x1C800] =	vst v63  }
0x52: {  	s11 =	simm.s32 $0x9800;
	v3 =	vadd.s32 v1, v3  }
0x53: {  	[tilespmem:s11], [sflag:$0x3] =	stream.indirect_vreg.gather [hbm4b:s6+s3], $0x80, v4, vm0, $0xb8;
	[tilespmem:$0x1C800] =	vst v63  }
0x54: {  	s23 =	simm.s32 $0xA000  }
0x55: {  	[tilespmem:s23], [sflag:$0x3] =	stream.indirect_vreg.gather [hbm4b:s7+s3], $0x80, v4, vm0, $0xb8;
	[tilespmem:$0x1C800] =	vst v63  }
0x56: {  	s24 =	simm.s32 $0xA800  }
0x57: {  	[tilespmem:s24], [sflag:$0x3] =	stream.indirect_vreg.gather [hbm4b:s2+s3], $0x80, v3, vm0, $0xb8;
	[tilespmem:$0x1C800] =	vst v63  }
0x58: {  	_ = 	snop  }
0x59: {  	[tilespmem:s25], [sflag:$0x3] =	stream.indirect_vreg.gather [hbm4b:s5+s3], $0x80, v3, vm0, $0xb8;
	[tilespmem:$0x1C800] =	vst v63  }
0x5a: {  	_ = 	snop  }
0x5b: {  	[tilespmem:s26], [sflag:$0x3] =	stream.indirect_vreg.gather [hbm4b:s6+s3], $0x80, v3, vm0, $0xb8;
	[tilespmem:$0x1C800] =	vst v63  }
0x5c: {  	_ = 	snop  }
0x5d: {  	[tilespmem:s29], [sflag:$0x3] =	stream.indirect_vreg.gather [hbm4b:s7+s3], $0x80, v3, vm0, $0xb8;
	[tilespmem:$0x1C800] =	vst v63  }
0x5e: {  	v3 =	vld [tilespmem:$0x180];
	_ =	sdelay $0x4  }
0x5f: {  	v51 =	vshll.u32 v3, $0x3  }
0x60: {  	v3 =	vand.u32 $0x7, v3;
	v4 =	vand.u32 $0xFFFFFFC0, v51  }
0x61: {  	v3 =	vor.u32 v3, v4  }
0x62: {  	v4 =	vperm.xlane v3, v0;
	_ =	sdelay $0x1  }
0x63: {  	v4 =	vadd.s32 v1, v4;
	_ =	sdelay $0x3  }
0x64: {  	s20 =	simm.s32 $0xC800  }
0x65: {  	[tilespmem:s20], [sflag:$0x4] =	stream.indirect_vreg.gather [hbm4b:s2+s3], $0x80, v4, vm0, $0xb8;
	[tilespmem:$0x1C800] =	vst v63  }
0x66: {  	v3 =	vperm.xlane v3, v2;
	s20 =	simm.s32 $0xD000  }
0x67: {  	[tilespmem:s20], [sflag:$0x4] =	stream.indirect_vreg.gather [hbm4b:s5+s3], $0x80, v4, vm0, $0xb8;
	[tilespmem:$0x1C800] =	vst v63  }
0x68: {  	s13 =	simm.s32 $0xD800;
	v3 =	vadd.s32 v1, v3  }
0x69: {  	[tilespmem:s13], [sflag:$0x4] =	stream.indirect_vreg.gather [hbm4b:s6+s3], $0x80, v4, vm0, $0xb8;
	[tilespmem:$0x1C800] =	vst v63  }
0x6a: {  	s14 =	simm.s32 $0xE000  }
0x6b: {  	[tilespmem:s14], [sflag:$0x4] =	stream.indirect_vreg.gather [hbm4b:s7+s3], $0x80, v4, vm0, $0xb8;
	[tilespmem:$0x1C800] =	vst v63  }
0x6c: {  	s15 =	simm.s32 $0xE800  }
0x6d: {  	[tilespmem:s15], [sflag:$0x4] =	stream.indirect_vreg.gather [hbm4b:s2+s3], $0x80, v3, vm0, $0xb8;
	[tilespmem:$0x1C800] =	vst v63  }
0x6e: {  	s16 =	simm.s32 $0xF000  }
0x6f: {  	[tilespmem:s16], [sflag:$0x4] =	stream.indirect_vreg.gather [hbm4b:s5+s3], $0x80, v3, vm0, $0xb8;
	[tilespmem:$0x1C800] =	vst v63  }
0x70: {  	s17 =	simm.s32 $0xF800  }
0x71: {  	[tilespmem:s17], [sflag:$0x4] =	stream.indirect_vreg.gather [hbm4b:s6+s3], $0x80, v3, vm0, $0xb8;
	[tilespmem:$0x1C800] =	vst v63  }
0x72: {  	s19 =	simm.s32 $0x10000  }
0x73: {  	[tilespmem:s19], [sflag:$0x4] =	stream.indirect_vreg.gather [hbm4b:s7+s3], $0x80, v3, vm0, $0xb8;
	[tilespmem:$0x1C800] =	vst v63  }
0x74: {  	v3 =	vld [tilespmem:$0x200];
	_ =	sdelay $0x4  }
0x75: {  	v52 =	vshll.u32 v3, $0x3  }
0x76: {  	v3 =	vand.u32 $0x7, v3;
	v4 =	vand.u32 $0xFFFFFFC0, v52  }
0x77: {  	v3 =	vor.u32 v3, v4  }
0x78: {  	v4 =	vperm.xlane v3, v0;
	_ =	sdelay $0x1  }
0x79: {  	v4 =	vadd.s32 v1, v4;
	_ =	sdelay $0x3  }
0x7a: {  	s22 =	simm.s32 $0x10800  }
0x7b: {  	[tilespmem:s22], [sflag:$0x5] =	stream.indirect_vreg.gather [hbm4b:s2+s3], $0x80, v4, vm0, $0xb8;
	[tilespmem:$0x1C800] =	vst v63  }
0x7c: {  	v3 =	vperm.xlane v3, v2;
	s22 =	simm.s32 $0x11000  }
0x7d: {  	[tilespmem:s22], [sflag:$0x5] =	stream.indirect_vreg.gather [hbm4b:s5+s3], $0x80, v4, vm0, $0xb8;
	[tilespmem:$0x1C800] =	vst v63  }
0x7e: {  	v3 =	vadd.s32 v1, v3;
	s22 =	simm.s32 $0x11800  }
0x7f: {  	[tilespmem:s22], [sflag:$0x5] =	stream.indirect_vreg.gather [hbm4b:s6+s3], $0x80, v4, vm0, $0xb8;
	[tilespmem:$0x1C800] =	vst v63  }
0x80: {  	s22 =	simm.s32 $0x12000  }
0x81: {  	[tilespmem:s22], [sflag:$0x5] =	stream.indirect_vreg.gather [hbm4b:s7+s3], $0x80, v4, vm0, $0xb8;
	[tilespmem:$0x1C800] =	vst v63  }
0x82: {  	s22 =	simm.s32 $0x12800  }
0x83: {  	[tilespmem:s22], [sflag:$0x5] =	stream.indirect_vreg.gather [hbm4b:s2+s3], $0x80, v3, vm0, $0xb8;
	[tilespmem:$0x1C800] =	vst v63  }
0x84: {  	s22 =	simm.s32 $0x13000  }
0x85: {  	[tilespmem:s22], [sflag:$0x5] =	stream.indirect_vreg.gather [hbm4b:s5+s3], $0x80, v3, vm0, $0xb8;
	[tilespmem:$0x1C800] =	vst v63  }
0x86: {  	s22 =	simm.s32 $0x13800  }
0x87: {  	[tilespmem:s22], [sflag:$0x5] =	stream.indirect_vreg.gather [hbm4b:s6+s3], $0x80, v3, vm0, $0xb8;
	[tilespmem:$0x1C800] =	vst v63  }
0x88: {  	s22 =	simm.s32 $0x14000  }
0x89: {  	[tilespmem:s22], [sflag:$0x5] =	stream.indirect_vreg.gather [hbm4b:s7+s3], $0x80, v3, vm0, $0xb8;
	[tilespmem:$0x1C800] =	vst v63  }
0x8a: {  	v3 =	vld [tilespmem:$0x280];
	_ =	sdelay $0x4  }
0x8b: {  	v53 =	vshll.u32 v3, $0x3  }
0x8c: {  	v3 =	vand.u32 $0x7, v3;
	v4 =	vand.u32 $0xFFFFFFC0, v53  }
0x8d: {  	v3 =	vor.u32 v3, v4  }
0x8e: {  	v4 =	vperm.xlane v3, v0;
	_ =	sdelay $0x1  }
0x8f: {  	v4 =	vadd.s32 v1, v4;
	_ =	sdelay $0x3  }
0x90: {  	s22 =	simm.s32 $0x14800  }
0x91: {  	[tilespmem:s22], [sflag:$0x6] =	stream.indirect_vreg.gather [hbm4b:s2+s3], $0x80, v4, vm0, $0xb8;
	[tilespmem:$0x1C800] =	vst v63  }
0x92: {  	v3 =	vperm.xlane v3, v2;
	s22 =	simm.s32 $0x15000  }
0x93: {  	[tilespmem:s22], [sflag:$0x6] =	stream.indirect_vreg.gather [hbm4b:s5+s3], $0x80, v4, vm0, $0xb8;
	[tilespmem:$0x1C800] =	vst v63  }
0x94: {  	v3 =	vadd.s32 v1, v3;
	s22 =	simm.s32 $0x15800  }
0x95: {  	[tilespmem:s22], [sflag:$0x6] =	stream.indirect_vreg.gather [hbm4b:s6+s3], $0x80, v4, vm0, $0xb8;
	[tilespmem:$0x1C800] =	vst v63  }
0x96: {  	s22 =	simm.s32 $0x16000  }
0x97: {  	[tilespmem:s22], [sflag:$0x6] =	stream.indirect_vreg.gather [hbm4b:s7+s3], $0x80, v4, vm0, $0xb8;
	[tilespmem:$0x1C800] =	vst v63  }
0x98: {  	s22 =	simm.s32 $0x16800  }
0x99: {  	[tilespmem:s22], [sflag:$0x6] =	stream.indirect_vreg.gather [hbm4b:s2+s3], $0x80, v3, vm0, $0xb8;
	[tilespmem:$0x1C800] =	vst v63  }
0x9a: {  	s22 =	simm.s32 $0x17000  }
0x9b: {  	[tilespmem:s22], [sflag:$0x6] =	stream.indirect_vreg.gather [hbm4b:s5+s3], $0x80, v3, vm0, $0xb8;
	[tilespmem:$0x1C800] =	vst v63  }
0x9c: {  	s22 =	simm.s32 $0x17800  }
0x9d: {  	[tilespmem:s22], [sflag:$0x6] =	stream.indirect_vreg.gather [hbm4b:s6+s3], $0x80, v3, vm0, $0xb8;
	[tilespmem:$0x1C800] =	vst v63  }
0x9e: {  	s22 =	simm.s32 $0x18000  }
0x9f: {  	[tilespmem:s22], [sflag:$0x6] =	stream.indirect_vreg.gather [hbm4b:s7+s3], $0x80, v3, vm0, $0xb8;
	[tilespmem:$0x1C800] =	vst v63  }
0xa0: {  	v3 =	vld [tilespmem:$0x300];
	_ =	sdelay $0x4  }
0xa1: {  	v54 =	vshll.u32 v3, $0x3  }
0xa2: {  	v3 =	vand.u32 $0x7, v3;
	v4 =	vand.u32 $0xFFFFFFC0, v54  }
0xa3: {  	v3 =	vor.u32 v3, v4  }
0xa4: {  	v4 =	vperm.xlane v3, v0;
	_ =	sdelay $0x1  }
0xa5: {  	v4 =	vadd.s32 v1, v4;
	_ =	sdelay $0x4  }
0xa6: {  	[tilespmem:s12], [sflag:$0x7] =	stream.indirect_vreg.gather [hbm4b:s2+s3], $0x80, v4, vm0, $0xb8;
	[tilespmem:$0x1C800] =	vst v63  }
0xa7: {  	s22 =	simm.s32 $0x19000;
	v3 =	vperm.xlane v3, v2  }
0xa8: {  	[tilespmem:s22], [sflag:$0x7] =	stream.indirect_vreg.gather [hbm4b:s5+s3], $0x80, v4, vm0, $0xb8;
	[tilespmem:$0x1C800] =	vst v63  }
0xa9: {  	v3 =	vadd.s32 v1, v3;
	s22 =	simm.s32 $0x19800  }
0xaa: {  	[tilespmem:s22], [sflag:$0x7] =	stream.indirect_vreg.gather [hbm4b:s6+s3], $0x80, v4, vm0, $0xb8;
	[tilespmem:$0x1C800] =	vst v63  }
0xab: {  	s22 =	simm.s32 $0x1A000  }
0xac: {  	[tilespmem:s22], [sflag:$0x7] =	stream.indirect_vreg.gather [hbm4b:s7+s3], $0x80, v4, vm0, $0xb8;
	[tilespmem:$0x1C800] =	vst v63  }
0xad: {  	s22 =	simm.s32 $0x1A800  }
0xae: {  	[tilespmem:s22], [sflag:$0x7] =	stream.indirect_vreg.gather [hbm4b:s2+s3], $0x80, v3, vm0, $0xb8;
	[tilespmem:$0x1C800] =	vst v63  }
0xaf: {  	s22 =	simm.s32 $0x1B000  }
0xb0: {  	[tilespmem:s22], [sflag:$0x7] =	stream.indirect_vreg.gather [hbm4b:s5+s3], $0x80, v3, vm0, $0xb8;
	[tilespmem:$0x1C800] =	vst v63  }
0xb1: {  	s22 =	simm.s32 $0x1B800  }
0xb2: {  	[tilespmem:s22], [sflag:$0x7] =	stream.indirect_vreg.gather [hbm4b:s6+s3], $0x80, v3, vm0, $0xb8;
	[tilespmem:$0x1C800] =	vst v63  }
0xb3: {  	s22 =	simm.s32 $0x1C000  }
0xb4: {  	[tilespmem:s22], [sflag:$0x7] =	stream.indirect_vreg.gather [hbm4b:s7+s3], $0x80, v3, vm0, $0xb8;
	[tilespmem:$0x1C800] =	vst v63  }
0xb5: {  	_ =	swait.ge [sflag:s31], $0x4000  }
0xb6: {  	[sflag:s31] =	ssyncset.done $0x0  }
0xb7: {  	s0 =	rddreg [dreg:$0x14];
	[sflag:s31] =	ssyncadd.s32 $0xFFFFC000  }
0xb8: {  	[hbm4b:s0+s3] =	stream.linear.scatter [tilespmem:s18], [sflag:$0x8], $0x4000, $0x38;
	[tilespmem:$0x1C800] =	vst v63  }
0xb9: {  	_ =	swait.ge [sflag:s30], $0x4000  }
0xba: {  	[sflag:s30] =	ssyncset.done $0x0  }
0xbb: {  	[sflag:s30] =	ssyncadd.s32 $0xFFFFC000  }
0xbc: {  	v3 =	vld [tilespmem:$0x380];
	_ =	sdelay $0x4  }
0xbd: {  	v55 =	vshll.u32 v3, $0x3  }
0xbe: {  	v3 =	vand.u32 $0x7, v3;
	v4 =	vand.u32 $0xFFFFFFC0, v55  }
0xbf: {  	v3 =	vor.u32 v3, v4  }
0xc0: {  	v4 =	vperm.xlane v3, v0;
	_ =	sdelay $0x1  }
0xc1: {  	v4 =	vadd.s32 v1, v4;
	_ =	sdelay $0x4  }
0xc2: {  	[tilespmem:s18], [sflag:$0x1] =	stream.indirect_vreg.gather [hbm4b:s2+s3], $0x80, v4, vm0, $0xb8;
	[tilespmem:$0x1C800] =	vst v63  }
0xc3: {  	s1 =	simm.s32 $0x1000;
	v3 =	vperm.xlane v3, v2  }
0xc4: {  	[tilespmem:s1], [sflag:$0x1] =	stream.indirect_vreg.gather [hbm4b:s5+s3], $0x80, v4, vm0, $0xb8;
	[tilespmem:$0x1C800] =	vst v63  }
0xc5: {  	v3 =	vadd.s32 v1, v3;
	s1 =	simm.s32 $0x1800  }
0xc6: {  	[tilespmem:s1], [sflag:$0x1] =	stream.indirect_vreg.gather [hbm4b:s6+s3], $0x80, v4, vm0, $0xb8;
	[tilespmem:$0x1C800] =	vst v63  }
0xc7: {  	s22 =	simm.s32 $0x2000  }
0xc8: {  	[tilespmem:s22], [sflag:$0x1] =	stream.indirect_vreg.gather [hbm4b:s7+s3], $0x80, v4, vm0, $0xb8;
	[tilespmem:$0x1C800] =	vst v63  }
0xc9: {  	s1 =	simm.s32 $0x2800  }
0xca: {  	[tilespmem:s1], [sflag:$0x1] =	stream.indirect_vreg.gather [hbm4b:s2+s3], $0x80, v3, vm0, $0xb8;
	[tilespmem:$0x1C800] =	vst v63  }
0xcb: {  	s22 =	simm.s32 $0x3000  }
0xcc: {  	[tilespmem:s22], [sflag:$0x1] =	stream.indirect_vreg.gather [hbm4b:s5+s3], $0x80, v3, vm0, $0xb8;
	[tilespmem:$0x1C800] =	vst v63  }
0xcd: {  	s1 =	simm.s32 $0x3800  }
0xce: {  	[tilespmem:s1], [sflag:$0x1] =	stream.indirect_vreg.gather [hbm4b:s6+s3], $0x80, v3, vm0, $0xb8;
	[tilespmem:$0x1C800] =	vst v63  }
0xcf: {  	s21 =	simm.s32 $0x4000  }
0xd0: {  	[tilespmem:s21], [sflag:$0x1] =	stream.indirect_vreg.gather [hbm4b:s7+s3], $0x80, v3, vm0, $0xb8;
	[tilespmem:$0x1C800] =	vst v63  }
0xd1: {  	_ =	swait.ge [sflag:s4], $0x4000  }
0xd2: {  	[sflag:s4] =	ssyncset.done $0x0  }
0xd3: {  	s21 =	rddreg [dreg:$0x5];
	[sflag:s4] =	ssyncadd.s32 $0xFFFFC000  }
0xd4: {  	[hbm4b:s21+s3] =	stream.linear.scatter [tilespmem:s10], [sflag:$0x9], $0x4000, $0x38;
	[tilespmem:$0x1C800] =	vst v63  }
0xd5: {  	_ =	swait.ge [sflag:s9], $0x4000  }
0xd6: {  	[sflag:s9] =	ssyncset.done $0x0  }
0xd7: {  	[sflag:s9] =	ssyncadd.s32 $0xFFFFC000  }
0xd8: {  	v3 =	vld [tilespmem:$0x400];
	_ =	sdelay $0x4  }
0xd9: {  	v56 =	vshll.u32 v3, $0x3  }
0xda: {  	v3 =	vand.u32 $0x7, v3;
	v4 =	vand.u32 $0xFFFFFFC0, v56  }
0xdb: {  	v3 =	vor.u32 v3, v4  }
0xdc: {  	v4 =	vperm.xlane v3, v0;
	_ =	sdelay $0x1  }
0xdd: {  	v4 =	vadd.s32 v1, v4;
	_ =	sdelay $0x4  }
0xde: {  	[tilespmem:s10], [sflag:$0x2] =	stream.indirect_vreg.gather [hbm4b:s2+s3], $0x80, v4, vm0, $0xb8;
	[tilespmem:$0x1C800] =	vst v63  }
0xdf: {  	s22 =	simm.s32 $0x5000;
	v3 =	vperm.xlane v3, v2  }
0xe0: {  	[tilespmem:s22], [sflag:$0x2] =	stream.indirect_vreg.gather [hbm4b:s5+s3], $0x80, v4, vm0, $0xb8;
	[tilespmem:$0x1C800] =	vst v63  }
0xe1: {  	s1 =	simm.s32 $0x5800;
	v3 =	vadd.s32 v1, v3  }
0xe2: {  	[tilespmem:s1], [sflag:$0x2] =	stream.indirect_vreg.gather [hbm4b:s6+s3], $0x80, v4, vm0, $0xb8;
	[tilespmem:$0x1C800] =	vst v63  }
0xe3: {  	s21 =	simm.s32 $0x6000  }
0xe4: {  	[tilespmem:s21], [sflag:$0x2] =	stream.indirect_vreg.gather [hbm4b:s7+s3], $0x80, v4, vm0, $0xb8;
	[tilespmem:$0x1C800] =	vst v63  }
0xe5: {  	s22 =	simm.s32 $0x6800  }
0xe6: {  	[tilespmem:s22], [sflag:$0x2] =	stream.indirect_vreg.gather [hbm4b:s2+s3], $0x80, v3, vm0, $0xb8;
	[tilespmem:$0x1C800] =	vst v63  }
0xe7: {  	s1 =	simm.s32 $0x7000  }
0xe8: {  	[tilespmem:s1], [sflag:$0x2] =	stream.indirect_vreg.gather [hbm4b:s5+s3], $0x80, v3, vm0, $0xb8;
	[tilespmem:$0x1C800] =	vst v63  }
0xe9: {  	s21 =	simm.s32 $0x7800  }
0xea: {  	[tilespmem:s21], [sflag:$0x2] =	stream.indirect_vreg.gather [hbm4b:s6+s3], $0x80, v3, vm0, $0xb8;
	[tilespmem:$0x1C800] =	vst v63  }
0xeb: {  	s0 =	simm.s32 $0x3;
	s22 =	simm.s32 $0x8000  }
0xec: {  	[tilespmem:s22], [sflag:$0x2] =	stream.indirect_vreg.gather [hbm4b:s7+s3], $0x80, v3, vm0, $0xb8;
	[tilespmem:$0x1C800] =	vst v63  }
0xed: {  	_ =	swait.ge [sflag:s0], $0x4000  }
0xee: {  	[sflag:s0] =	ssyncset.done $0x0  }
0xef: {  	s21 =	simm.s32 $0x8800;
	s1 =	rddreg [dreg:$0x6];
	[sflag:s0] =	ssyncadd.s32 $0xFFFFC000  }
0xf0: {  	[hbm4b:s1+s3] =	stream.linear.scatter [tilespmem:s21], [sflag:$0xA], $0x4000, $0x38;
	[tilespmem:$0x1C800] =	vst v63  }
0xf1: {  	s1 =	simm.s32 $0xA  }
0xf2: {  	_ =	swait.ge [sflag:s1], $0x4000  }
0xf3: {  	[sflag:s1] =	ssyncset.done $0x0  }
0xf4: {  	[sflag:s1] =	ssyncadd.s32 $0xFFFFC000  }
0xf5: {  	v3 =	vld [tilespmem:$0x480];
	_ =	sdelay $0x4  }
0xf6: {  	v57 =	vshll.u32 v3, $0x3  }
0xf7: {  	v3 =	vand.u32 $0x7, v3;
	v4 =	vand.u32 $0xFFFFFFC0, v57  }
0xf8: {  	v3 =	vor.u32 v3, v4  }
0xf9: {  	v4 =	vperm.xlane v3, v0;
	_ =	sdelay $0x1  }
0xfa: {  	v4 =	vadd.s32 v1, v4;
	_ =	sdelay $0x4  }
0xfb: {  	[tilespmem:s21], [sflag:$0x3] =	stream.indirect_vreg.gather [hbm4b:s2+s3], $0x80, v4, vm0, $0xb8;
	[tilespmem:$0x1C800] =	vst v63  }
0xfc: {  	v3 =	vperm.xlane v3, v2  }
0xfd: {  	[tilespmem:s28], [sflag:$0x3] =	stream.indirect_vreg.gather [hbm4b:s5+s3], $0x80, v4, vm0, $0xb8;
	[tilespmem:$0x1C800] =	vst v63  }
0xfe: {  	v3 =	vadd.s32 v1, v3  }
0xff: {  	[tilespmem:s11], [sflag:$0x3] =	stream.indirect_vreg.gather [hbm4b:s6+s3], $0x80, v4, vm0, $0xb8;
	[tilespmem:$0x1C800] =	vst v63  }
0x100: {  	_ = 	snop  }
0x101: {  	[tilespmem:s23], [sflag:$0x3] =	stream.indirect_vreg.gather [hbm4b:s7+s3], $0x80, v4, vm0, $0xb8;
	[tilespmem:$0x1C800] =	vst v63  }
0x102: {  	_ = 	snop  }
0x103: {  	[tilespmem:s24], [sflag:$0x3] =	stream.indirect_vreg.gather [hbm4b:s2+s3], $0x80, v3, vm0, $0xb8;
	[tilespmem:$0x1C800] =	vst v63  }
0x104: {  	_ = 	snop  }
0x105: {  	[tilespmem:s25], [sflag:$0x3] =	stream.indirect_vreg.gather [hbm4b:s5+s3], $0x80, v3, vm0, $0xb8;
	[tilespmem:$0x1C800] =	vst v63  }
0x106: {  	_ = 	snop  }
0x107: {  	[tilespmem:s26], [sflag:$0x3] =	stream.indirect_vreg.gather [hbm4b:s6+s3], $0x80, v3, vm0, $0xb8;
	[tilespmem:$0x1C800] =	vst v63  }
0x108: {  	s11 =	simm.s32 $0x4  }
0x109: {  	[tilespmem:s29], [sflag:$0x3] =	stream.indirect_vreg.gather [hbm4b:s7+s3], $0x80, v3, vm0, $0xb8;
	[tilespmem:$0x1C800] =	vst v63  }
0x10a: {  	_ =	swait.ge [sflag:s11], $0x4000  }
0x10b: {  	[sflag:s11] =	ssyncset.done $0x0  }
0x10c: {  	s24 =	simm.s32 $0xC800;
	s23 =	rddreg [dreg:$0x7];
	[sflag:s11] =	ssyncadd.s32 $0xFFFFC000  }
0x10d: {  	[hbm4b:s23+s3] =	stream.linear.scatter [tilespmem:s24], [sflag:$0xB], $0x4000, $0x38;
	[tilespmem:$0x1C800] =	vst v63  }
0x10e: {  	s23 =	simm.s32 $0xB  }
0x10f: {  	_ =	swait.ge [sflag:s23], $0x4000  }
0x110: {  	[sflag:s23] =	ssyncset.done $0x0  }
0x111: {  	[sflag:s23] =	ssyncadd.s32 $0xFFFFC000  }
0x112: {  	v3 =	vld [tilespmem:$0x500];
	_ =	sdelay $0x4  }
0x113: {  	v58 =	vshll.u32 v3, $0x3  }
0x114: {  	v3 =	vand.u32 $0x7, v3;
	v4 =	vand.u32 $0xFFFFFFC0, v58  }
0x115: {  	v3 =	vor.u32 v3, v4  }
0x116: {  	v4 =	vperm.xlane v3, v0;
	_ =	sdelay $0x1  }
0x117: {  	v4 =	vadd.s32 v1, v4;
	_ =	sdelay $0x4  }
0x118: {  	[tilespmem:s24], [sflag:$0x4] =	stream.indirect_vreg.gather [hbm4b:s2+s3], $0x80, v4, vm0, $0xb8;
	[tilespmem:$0x1C800] =	vst v63  }
0x119: {  	v3 =	vperm.xlane v3, v2  }
0x11a: {  	[tilespmem:s20], [sflag:$0x4] =	stream.indirect_vreg.gather [hbm4b:s5+s3], $0x80, v4, vm0, $0xb8;
	[tilespmem:$0x1C800] =	vst v63  }
0x11b: {  	v3 =	vadd.s32 v1, v3  }
0x11c: {  	[tilespmem:s13], [sflag:$0x4] =	stream.indirect_vreg.gather [hbm4b:s6+s3], $0x80, v4, vm0, $0xb8;
	[tilespmem:$0x1C800] =	vst v63  }
0x11d: {  	_ = 	snop  }
0x11e: {  	[tilespmem:s14], [sflag:$0x4] =	stream.indirect_vreg.gather [hbm4b:s7+s3], $0x80, v4, vm0, $0xb8;
	[tilespmem:$0x1C800] =	vst v63  }
0x11f: {  	_ = 	snop  }
0x120: {  	[tilespmem:s15], [sflag:$0x4] =	stream.indirect_vreg.gather [hbm4b:s2+s3], $0x80, v3, vm0, $0xb8;
	[tilespmem:$0x1C800] =	vst v63  }
0x121: {  	_ = 	snop  }
0x122: {  	[tilespmem:s16], [sflag:$0x4] =	stream.indirect_vreg.gather [hbm4b:s5+s3], $0x80, v3, vm0, $0xb8;
	[tilespmem:$0x1C800] =	vst v63  }
0x123: {  	_ = 	snop  }
0x124: {  	[tilespmem:s17], [sflag:$0x4] =	stream.indirect_vreg.gather [hbm4b:s6+s3], $0x80, v3, vm0, $0xb8;
	[tilespmem:$0x1C800] =	vst v63  }
0x125: {  	s13 =	simm.s32 $0x5  }
0x126: {  	[tilespmem:s19], [sflag:$0x4] =	stream.indirect_vreg.gather [hbm4b:s7+s3], $0x80, v3, vm0, $0xb8;
	[tilespmem:$0x1C800] =	vst v63  }
0x127: {  	_ =	swait.ge [sflag:s13], $0x4000  }
0x128: {  	s20 =	simm.s32 $0x10800;
	[sflag:s13] =	ssyncset.done $0x0  }
0x129: {  	s14 =	simm.s32 $0xC;
	s19 =	rddreg [dreg:$0x8];
	[sflag:s13] =	ssyncadd.s32 $0xFFFFC000  }
0x12a: {  	[hbm4b:s19+s3] =	stream.linear.scatter [tilespmem:s20], [sflag:$0xC], $0x4000, $0x38;
	[tilespmem:$0x1C800] =	vst v63  }
0x12b: {  	_ =	swait.ge [sflag:s14], $0x4000  }
0x12c: {  	[sflag:s14] =	ssyncset.done $0x0  }
0x12d: {  	[sflag:s14] =	ssyncadd.s32 $0xFFFFC000  }
0x12e: {  	v3 =	vld [tilespmem:$0x580];
	_ =	sdelay $0x4  }
0x12f: {  	v59 =	vshll.u32 v3, $0x3  }
0x130: {  	v3 =	vand.u32 $0x7, v3;
	v4 =	vand.u32 $0xFFFFFFC0, v59  }
0x131: {  	v3 =	vor.u32 v3, v4  }
0x132: {  	v4 =	vperm.xlane v3, v0;
	_ =	sdelay $0x1  }
0x133: {  	v4 =	vadd.s32 v1, v4;
	_ =	sdelay $0x4  }
0x134: {  	[tilespmem:s20], [sflag:$0x5] =	stream.indirect_vreg.gather [hbm4b:s2+s3], $0x80, v4, vm0, $0xb8;
	[tilespmem:$0x1C800] =	vst v63  }
0x135: {  	s24 =	simm.s32 $0x11000;
	v3 =	vperm.xlane v3, v2  }
0x136: {  	[tilespmem:s24], [sflag:$0x5] =	stream.indirect_vreg.gather [hbm4b:s5+s3], $0x80, v4, vm0, $0xb8;
	[tilespmem:$0x1C800] =	vst v63  }
0x137: {  	s16 =	simm.s32 $0x11800;
	v3 =	vadd.s32 v1, v3  }
0x138: {  	[tilespmem:s16], [sflag:$0x5] =	stream.indirect_vreg.gather [hbm4b:s6+s3], $0x80, v4, vm0, $0xb8;
	[tilespmem:$0x1C800] =	vst v63  }
0x139: {  	s17 =	simm.s32 $0x12000  }
0x13a: {  	[tilespmem:s17], [sflag:$0x5] =	stream.indirect_vreg.gather [hbm4b:s7+s3], $0x80, v4, vm0, $0xb8;
	[tilespmem:$0x1C800] =	vst v63  }
0x13b: {  	s19 =	simm.s32 $0x12800  }
0x13c: {  	[tilespmem:s19], [sflag:$0x5] =	stream.indirect_vreg.gather [hbm4b:s2+s3], $0x80, v3, vm0, $0xb8;
	[tilespmem:$0x1C800] =	vst v63  }
0x13d: {  	s22 =	simm.s32 $0x13000  }
0x13e: {  	[tilespmem:s22], [sflag:$0x5] =	stream.indirect_vreg.gather [hbm4b:s5+s3], $0x80, v3, vm0, $0xb8;
	[tilespmem:$0x1C800] =	vst v63  }
0x13f: {  	s24 =	simm.s32 $0x13800  }
0x140: {  	[tilespmem:s24], [sflag:$0x5] =	stream.indirect_vreg.gather [hbm4b:s6+s3], $0x80, v3, vm0, $0xb8;
	[tilespmem:$0x1C800] =	vst v63  }
0x141: {  	s15 =	simm.s32 $0x6;
	s16 =	simm.s32 $0x14000  }
0x142: {  	[tilespmem:s16], [sflag:$0x5] =	stream.indirect_vreg.gather [hbm4b:s7+s3], $0x80, v3, vm0, $0xb8;
	[tilespmem:$0x1C800] =	vst v63  }
0x143: {  	_ =	swait.ge [sflag:s15], $0x4000  }
0x144: {  	s19 =	simm.s32 $0x14800;
	[sflag:s15] =	ssyncset.done $0x0  }
0x145: {  	s16 =	simm.s32 $0xD;
	s17 =	rddreg [dreg:$0x9];
	[sflag:s15] =	ssyncadd.s32 $0xFFFFC000  }
0x146: {  	[hbm4b:s17+s3] =	stream.linear.scatter [tilespmem:s19], [sflag:$0xD], $0x4000, $0x38;
	[tilespmem:$0x1C800] =	vst v63  }
0x147: {  	_ =	swait.ge [sflag:s16], $0x4000  }
0x148: {  	[sflag:s16] =	ssyncset.done $0x0  }
0x149: {  	[sflag:s16] =	ssyncadd.s32 $0xFFFFC000  }
0x14a: {  	v3 =	vld [tilespmem:$0x600];
	_ =	sdelay $0x4  }
0x14b: {  	v60 =	vshll.u32 v3, $0x3  }
0x14c: {  	v3 =	vand.u32 $0x7, v3;
	v4 =	vand.u32 $0xFFFFFFC0, v60  }
0x14d: {  	v3 =	vor.u32 v3, v4  }
0x14e: {  	v4 =	vperm.xlane v3, v0;
	_ =	sdelay $0x1  }
0x14f: {  	v4 =	vadd.s32 v1, v4;
	_ =	sdelay $0x4  }
0x150: {  	[tilespmem:s19], [sflag:$0x6] =	stream.indirect_vreg.gather [hbm4b:s2+s3], $0x80, v4, vm0, $0xb8;
	[tilespmem:$0x1C800] =	vst v63  }
0x151: {  	s22 =	simm.s32 $0x15000;
	v3 =	vperm.xlane v3, v2  }
0x152: {  	[tilespmem:s22], [sflag:$0x6] =	stream.indirect_vreg.gather [hbm4b:s5+s3], $0x80, v4, vm0, $0xb8;
	[tilespmem:$0x1C800] =	vst v63  }
0x153: {  	v3 =	vadd.s32 v1, v3;
	s19 =	simm.s32 $0x15800  }
0x154: {  	[tilespmem:s19], [sflag:$0x6] =	stream.indirect_vreg.gather [hbm4b:s6+s3], $0x80, v4, vm0, $0xb8;
	[tilespmem:$0x1C800] =	vst v63  }
0x155: {  	s22 =	simm.s32 $0x16000  }
0x156: {  	[tilespmem:s22], [sflag:$0x6] =	stream.indirect_vreg.gather [hbm4b:s7+s3], $0x80, v4, vm0, $0xb8;
	[tilespmem:$0x1C800] =	vst v63  }
0x157: {  	s19 =	simm.s32 $0x16800  }
0x158: {  	[tilespmem:s19], [sflag:$0x6] =	stream.indirect_vreg.gather [hbm4b:s2+s3], $0x80, v3, vm0, $0xb8;
	[tilespmem:$0x1C800] =	vst v63  }
0x159: {  	s22 =	simm.s32 $0x17000  }
0x15a: {  	[tilespmem:s22], [sflag:$0x6] =	stream.indirect_vreg.gather [hbm4b:s5+s3], $0x80, v3, vm0, $0xb8;
	[tilespmem:$0x1C800] =	vst v63  }
0x15b: {  	s19 =	simm.s32 $0x17800  }
0x15c: {  	[tilespmem:s19], [sflag:$0x6] =	stream.indirect_vreg.gather [hbm4b:s6+s3], $0x80, v3, vm0, $0xb8;
	[tilespmem:$0x1C800] =	vst v63  }
0x15d: {  	s17 =	simm.s32 $0x7;
	s22 =	simm.s32 $0x18000  }
0x15e: {  	[tilespmem:s22], [sflag:$0x6] =	stream.indirect_vreg.gather [hbm4b:s7+s3], $0x80, v3, vm0, $0xb8;
	[tilespmem:$0x1C800] =	vst v63  }
0x15f: {  	_ =	swait.ge [sflag:s17], $0x4000  }
0x160: {  	[sflag:s17] =	ssyncset.done $0x0  }
0x161: {  	s19 =	rddreg [dreg:$0xa];
	[sflag:s17] =	ssyncadd.s32 $0xFFFFC000  }
0x162: {  	[hbm4b:s19+s3] =	stream.linear.scatter [tilespmem:s12], [sflag:$0xE], $0x4000, $0x38;
	[tilespmem:$0x1C800] =	vst v63  }
0x163: {  	s19 =	simm.s32 $0xE  }
0x164: {  	_ =	swait.ge [sflag:s19], $0x4000  }
0x165: {  	[sflag:s19] =	ssyncset.done $0x0  }
0x166: {  	[sflag:s19] =	ssyncadd.s32 $0xFFFFC000  }
0x167: {  	v3 =	vld [tilespmem:$0x680];
	_ =	sdelay $0x4  }
0x168: {  	v61 =	vshll.u32 v3, $0x3  }
0x169: {  	v3 =	vand.u32 $0x7, v3;
	v4 =	vand.u32 $0xFFFFFFC0, v61  }
0x16a: {  	v3 =	vor.u32 v3, v4  }
0x16b: {  	v4 =	vperm.xlane v3, v0;
	_ =	sdelay $0x1  }
0x16c: {  	v4 =	vadd.s32 v1, v4;
	_ =	sdelay $0x4  }
0x16d: {  	[tilespmem:s12], [sflag:$0x7] =	stream.indirect_vreg.gather [hbm4b:s2+s3], $0x80, v4, vm0, $0xb8;
	[tilespmem:$0x1C800] =	vst v63  }
0x16e: {  	s22 =	simm.s32 $0x19000;
	v3 =	vperm.xlane v3, v2  }
0x16f: {  	[tilespmem:s22], [sflag:$0x7] =	stream.indirect_vreg.gather [hbm4b:s5+s3], $0x80, v4, vm0, $0xb8;
	[tilespmem:$0x1C800] =	vst v63  }
0x170: {  	v3 =	vadd.s32 v1, v3;
	s22 =	simm.s32 $0x19800  }
0x171: {  	[tilespmem:s22], [sflag:$0x7] =	stream.indirect_vreg.gather [hbm4b:s6+s3], $0x80, v4, vm0, $0xb8;
	[tilespmem:$0x1C800] =	vst v63  }
0x172: {  	s22 =	simm.s32 $0x1A000  }
0x173: {  	[tilespmem:s22], [sflag:$0x7] =	stream.indirect_vreg.gather [hbm4b:s7+s3], $0x80, v4, vm0, $0xb8;
	[tilespmem:$0x1C800] =	vst v63  }
0x174: {  	s22 =	simm.s32 $0x1A800  }
0x175: {  	[tilespmem:s22], [sflag:$0x7] =	stream.indirect_vreg.gather [hbm4b:s2+s3], $0x80, v3, vm0, $0xb8;
	[tilespmem:$0x1C800] =	vst v63  }
0x176: {  	s22 =	simm.s32 $0x1B000  }
0x177: {  	[tilespmem:s22], [sflag:$0x7] =	stream.indirect_vreg.gather [hbm4b:s5+s3], $0x80, v3, vm0, $0xb8;
	[tilespmem:$0x1C800] =	vst v63  }
0x178: {  	s22 =	simm.s32 $0x1B800  }
0x179: {  	[tilespmem:s22], [sflag:$0x7] =	stream.indirect_vreg.gather [hbm4b:s6+s3], $0x80, v3, vm0, $0xb8;
	[tilespmem:$0x1C800] =	vst v63  }
0x17a: {  	s22 =	simm.s32 $0x1C000  }
0x17b: {  	[tilespmem:s22], [sflag:$0x7] =	stream.indirect_vreg.gather [hbm4b:s7+s3], $0x80, v3, vm0, $0xb8;
	[tilespmem:$0x1C800] =	vst v63  }
0x17c: {  	_ =	swait.ge [sflag:s31], $0x4000  }
0x17d: {  	[sflag:s31] =	ssyncset.done $0x0  }
0x17e: {  	s22 =	rddreg [dreg:$0xb];
	[sflag:s31] =	ssyncadd.s32 $0xFFFFC000  }
0x17f: {  	[hbm4b:s22+s3] =	stream.linear.scatter [tilespmem:s18], [sflag:$0x8], $0x4000, $0x38;
	[tilespmem:$0x1C800] =	vst v63  }
0x180: {  	_ =	swait.ge [sflag:s30], $0x4000  }
0x181: {  	[sflag:s30] =	ssyncset.done $0x0  }
0x182: {  	[sflag:s30] =	ssyncadd.s32 $0xFFFFC000  }
0x183: {  	v3 =	vld [tilespmem:$0x700];
	_ =	sdelay $0x4  }
0x184: {  	v62 =	vshll.u32 v3, $0x3  }
0x185: {  	v3 =	vand.u32 $0x7, v3;
	v4 =	vand.u32 $0xFFFFFFC0, v62  }
0x186: {  	v3 =	vor.u32 v3, v4  }
0x187: {  	v4 =	vperm.xlane v3, v0;
	_ =	sdelay $0x1  }
0x188: {  	v4 =	vadd.s32 v1, v4;
	_ =	sdelay $0x4  }
0x189: {  	[tilespmem:s18], [sflag:$0x1] =	stream.indirect_vreg.gather [hbm4b:s2+s3], $0x80, v4, vm0, $0xb8;
	[tilespmem:$0x1C800] =	vst v63  }
0x18a: {  	s22 =	simm.s32 $0x1000;
	v3 =	vperm.xlane v3, v2  }
0x18b: {  	[tilespmem:s22], [sflag:$0x1] =	stream.indirect_vreg.gather [hbm4b:s5+s3], $0x80, v4, vm0, $0xb8;
	[tilespmem:$0x1C800] =	vst v63  }
0x18c: {  	v3 =	vadd.s32 v1, v3;
	s22 =	simm.s32 $0x1800  }
0x18d: {  	[tilespmem:s22], [sflag:$0x1] =	stream.indirect_vreg.gather [hbm4b:s6+s3], $0x80, v4, vm0, $0xb8;
	[tilespmem:$0x1C800] =	vst v63  }
0x18e: {  	s22 =	simm.s32 $0x2000  }
0x18f: {  	[tilespmem:s22], [sflag:$0x1] =	stream.indirect_vreg.gather [hbm4b:s7+s3], $0x80, v4, vm0, $0xb8;
	[tilespmem:$0x1C800] =	vst v63  }
0x190: {  	s22 =	simm.s32 $0x2800  }
0x191: {  	[tilespmem:s22], [sflag:$0x1] =	stream.indirect_vreg.gather [hbm4b:s2+s3], $0x80, v3, vm0, $0xb8;
	[tilespmem:$0x1C800] =	vst v63  }
0x192: {  	s22 =	simm.s32 $0x3000  }
0x193: {  	[tilespmem:s22], [sflag:$0x1] =	stream.indirect_vreg.gather [hbm4b:s5+s3], $0x80, v3, vm0, $0xb8;
	[tilespmem:$0x1C800] =	vst v63  }
0x194: {  	s22 =	simm.s32 $0x3800  }
0x195: {  	[tilespmem:s22], [sflag:$0x1] =	stream.indirect_vreg.gather [hbm4b:s6+s3], $0x80, v3, vm0, $0xb8;
	[tilespmem:$0x1C800] =	vst v63  }
0x196: {  	s22 =	simm.s32 $0x4000  }
0x197: {  	[tilespmem:s22], [sflag:$0x1] =	stream.indirect_vreg.gather [hbm4b:s7+s3], $0x80, v3, vm0, $0xb8;
	[tilespmem:$0x1C800] =	vst v63  }
0x198: {  	_ =	swait.ge [sflag:s4], $0x4000  }
0x199: {  	[sflag:s4] =	ssyncset.done $0x0  }
0x19a: {  	s22 =	rddreg [dreg:$0xc];
	[sflag:s4] =	ssyncadd.s32 $0xFFFFC000  }
0x19b: {  	[hbm4b:s22+s3] =	stream.linear.scatter [tilespmem:s10], [sflag:$0x9], $0x4000, $0x38;
	[tilespmem:$0x1C800] =	vst v63  }
0x19c: {  	_ =	swait.ge [sflag:s9], $0x4000  }
0x19d: {  	[sflag:s9] =	ssyncset.done $0x0  }
0x19e: {  	[sflag:s9] =	ssyncadd.s32 $0xFFFFC000  }
0x19f: {  	v3 =	vld [tilespmem:$0x780];
	_ =	sdelay $0x4  }
0x1a0: {  	v63 =	vshll.u32 v3, $0x3  }
0x1a1: {  	v3 =	vand.u32 $0x7, v3;
	v4 =	vand.u32 $0xFFFFFFC0, v63  }
0x1a2: {  	v3 =	vor.u32 v3, v4  }
0x1a3: {  	v4 =	vperm.xlane v3, v0;
	_ =	sdelay $0x1  }
0x1a4: {  	v4 =	vadd.s32 v1, v4;
	_ =	sdelay $0x4  }
0x1a5: {  	[tilespmem:s10], [sflag:$0x2] =	stream.indirect_vreg.gather [hbm4b:s2+s3], $0x80, v4, vm0, $0xb8;
	[tilespmem:$0x1C800] =	vst v63  }
0x1a6: {  	s22 =	simm.s32 $0x5000;
	v3 =	vperm.xlane v3, v2  }
0x1a7: {  	[tilespmem:s22], [sflag:$0x2] =	stream.indirect_vreg.gather [hbm4b:s5+s3], $0x80, v4, vm0, $0xb8;
	[tilespmem:$0x1C800] =	vst v63  }
0x1a8: {  	v3 =	vadd.s32 v1, v3;
	s22 =	simm.s32 $0x5800  }
0x1a9: {  	[tilespmem:s22], [sflag:$0x2] =	stream.indirect_vreg.gather [hbm4b:s6+s3], $0x80, v4, vm0, $0xb8;
	[tilespmem:$0x1C800] =	vst v63  }
0x1aa: {  	s22 =	simm.s32 $0x6000  }
0x1ab: {  	[tilespmem:s22], [sflag:$0x2] =	stream.indirect_vreg.gather [hbm4b:s7+s3], $0x80, v4, vm0, $0xb8;
	[tilespmem:$0x1C800] =	vst v63  }
0x1ac: {  	s22 =	simm.s32 $0x6800  }
0x1ad: {  	[tilespmem:s22], [sflag:$0x2] =	stream.indirect_vreg.gather [hbm4b:s2+s3], $0x80, v3, vm0, $0xb8;
	[tilespmem:$0x1C800] =	vst v63  }
0x1ae: {  	s22 =	simm.s32 $0x7000  }
0x1af: {  	[tilespmem:s22], [sflag:$0x2] =	stream.indirect_vreg.gather [hbm4b:s5+s3], $0x80, v3, vm0, $0xb8;
	[tilespmem:$0x1C800] =	vst v63  }
0x1b0: {  	s22 =	simm.s32 $0x7800  }
0x1b1: {  	[tilespmem:s22], [sflag:$0x2] =	stream.indirect_vreg.gather [hbm4b:s6+s3], $0x80, v3, vm0, $0xb8;
	[tilespmem:$0x1C800] =	vst v63  }
0x1b2: {  	s22 =	simm.s32 $0x8000  }
0x1b3: {  	[tilespmem:s22], [sflag:$0x2] =	stream.indirect_vreg.gather [hbm4b:s7+s3], $0x80, v3, vm0, $0xb8;
	[tilespmem:$0x1C800] =	vst v63  }
0x1b4: {  	_ =	swait.ge [sflag:s0], $0x4000  }
0x1b5: {  	[sflag:s0] =	ssyncset.done $0x0  }
0x1b6: {  	s22 =	rddreg [dreg:$0xd];
	[sflag:s0] =	ssyncadd.s32 $0xFFFFC000;
	s0 =	simm.s32 $0x8800  }
0x1b7: {  	[hbm4b:s22+s3] =	stream.linear.scatter [tilespmem:s0], [sflag:$0xA], $0x4000, $0x38;
	[tilespmem:$0x1C800] =	vst v63  }
0x1b8: {  	_ =	swait.ge [sflag:s11], $0x4000  }
0x1b9: {  	[sflag:s11] =	ssyncset.done $0x0  }
0x1ba: {  	s21 =	simm.s32 $0xC800;
	s0 =	rddreg [dreg:$0xe];
	[sflag:s11] =	ssyncadd.s32 $0xFFFFC000  }
0x1bb: {  	[hbm4b:s0+s3] =	stream.linear.scatter [tilespmem:s21], [sflag:$0xB], $0x4000, $0x38;
	[tilespmem:$0x1C800] =	vst v63  }
0x1bc: {  	_ =	swait.ge [sflag:s13], $0x4000  }
0x1bd: {  	[sflag:s13] =	ssyncset.done $0x0  }
0x1be: {  	s20 =	simm.s32 $0x10800;
	s11 =	rddreg [dreg:$0xf];
	[sflag:s13] =	ssyncadd.s32 $0xFFFFC000  }
0x1bf: {  	[hbm4b:s11+s3] =	stream.linear.scatter [tilespmem:s20], [sflag:$0xC], $0x4000, $0x38;
	[tilespmem:$0x1C800] =	vst v63  }
0x1c0: {  	_ =	swait.ge [sflag:s15], $0x4000  }
0x1c1: {  	[sflag:s15] =	ssyncset.done $0x0  }
0x1c2: {  	s24 =	simm.s32 $0x14800;
	s13 =	rddreg [dreg:$0x10];
	[sflag:s15] =	ssyncadd.s32 $0xFFFFC000  }
0x1c3: {  	[hbm4b:s13+s3] =	stream.linear.scatter [tilespmem:s24], [sflag:$0xD], $0x4000, $0x38;
	[tilespmem:$0x1C800] =	vst v63  }
0x1c4: {  	_ =	swait.ge [sflag:s17], $0x4000  }
0x1c5: {  	[sflag:s17] =	ssyncset.done $0x0  }
0x1c6: {  	s20 =	rddreg [dreg:$0x11];
	[sflag:s17] =	ssyncadd.s32 $0xFFFFC000  }
0x1c7: {  	[hbm4b:s20+s3] =	stream.linear.scatter [tilespmem:s12], [sflag:$0xE], $0x4000, $0x38;
	[tilespmem:$0x1C800] =	vst v63  }
0x1c8: {  	_ =	swait.ge [sflag:s31], $0x4000  }
0x1c9: {  	[sflag:s31] =	ssyncset.done $0x0  }
0x1ca: {  	s21 =	rddreg [dreg:$0x12];
	[sflag:s31] =	ssyncadd.s32 $0xFFFFC000  }
0x1cb: {  	[hbm4b:s21+s3] =	stream.linear.scatter [tilespmem:s18], [sflag:$0x8], $0x4000, $0x38;
	[tilespmem:$0x1C800] =	vst v63  }
0x1cc: {  	_ =	swait.ge [sflag:s4], $0x4000  }
0x1cd: {  	[sflag:s4] =	ssyncset.done $0x0  }
0x1ce: {  	s24 =	rddreg [dreg:$0x13];
	[sflag:s4] =	ssyncadd.s32 $0xFFFFC000  }
0x1cf: {  	[hbm4b:s24+s3] =	stream.linear.scatter [tilespmem:s10], [sflag:$0x9], $0x4000, $0x38;
	[tilespmem:$0x1C800] =	vst v63  }
0x1d0: {  	_ =	swait.ge [sflag:s1], $0x4000  }
0x1d1: {  	[sflag:s1] =	ssyncset.done $0x0  }
0x1d2: {  	[sflag:s1] =	ssyncadd.s32 $0xFFFFC000  }
0x1d3: {  	_ =	swait.ge [sflag:s23], $0x4000  }
0x1d4: {  	[sflag:s23] =	ssyncset.done $0x0  }
0x1d5: {  	[sflag:s23] =	ssyncadd.s32 $0xFFFFC000  }
0x1d6: {  	_ =	swait.ge [sflag:s14], $0x4000  }
0x1d7: {  	[sflag:s14] =	ssyncset.done $0x0  }
0x1d8: {  	[sflag:s14] =	ssyncadd.s32 $0xFFFFC000  }
0x1d9: {  	_ =	swait.ge [sflag:s16], $0x4000  }
0x1da: {  	[sflag:s16] =	ssyncset.done $0x0  }
0x1db: {  	[sflag:s16] =	ssyncadd.s32 $0xFFFFC000  }
0x1dc: {  	_ =	swait.ge [sflag:s19], $0x4000  }
0x1dd: {  	[sflag:s19] =	ssyncset.done $0x0  }
0x1de: {  	[sflag:s19] =	ssyncadd.s32 $0xFFFFC000  }
0x1df: {  	p0 =	sne.s32 s8, $0x1;
	_ =	swait.ge [sflag:s30], $0x4000  }
.Ltmp0:
0x1e0: {  	[sflag:s30] =	ssyncset.done $0x0;
	(pc) =	sbr.rel @p0 .LBB2_1-.Ltmp0, $4  }
0x1e1: {  	[sflag:s30] =	ssyncadd.s32 $0xFFFFC000  }
0x1e2: {  	_ =	swait.ge [sflag:s9], $0x4000  }
0x1e3: {  	[sflag:s9] =	ssyncset.done $0x0  }
0x1e4: {  	s8 =	sadd.s32 $0xFFFFFFFF, s8;
	[sflag:s9] =	ssyncadd.s32 $0xFFFFC000  }
0x1e5: {  	_ =	sfence.sel $0x180000  }
0x1e6: {  	[bflag:$0x0] =	sbarrier.arrive $0xFFFF  }
0x1e7: {  	_ =	strace $0x90000047  }
0x1e8: {  	s0 =	stileid.u32;
	[bflag:$0x2] =	sbarrier.arrive $0xFFFF  }
0x1e9: {  	p0 =	sne.s32 s0, $0x0;
	s0 =	rddreg [dreg:$0x3]  }
0x1ea: {  	s0 =	sadd.s32 @!p0 $0x100000, s0  }
0x1eb: {  	[sflag:s0] =	ssyncadd.tile.s32 @!p0 $0x1;
	_ =	shalt  }
.Lfunc_end2:
_tile_overlayer_lowered:
.L_overlay_start_2:
0x1ec: {  	(tag) =	ssettag $0x2  }
0x1ed: {  	s0 =	rddreg [dreg:$0x0];
	s2 =	stileid.u32  }
0x1ee: {  	s1 =	rddreg [dreg:$0x1];
	p0 =	sne.s32 s2, $0x0  }
0x1ef: {  	s3 =	rddreg [dreg:$0x2];
	[bflag:$0x3] =	sbarrier.arrive $0xFFFF;
	s2 =	simm.s32 @!p0 $0x1C0F  }
0x1f0: {  	[timem:s3], [sflag:s2] =	dma.local @!p0 [hbm:s0], s1  }
0x1f1: {  	s0 =	simm.s32 @!p0 $0xF  }
0x1f2: {  	_ =	swait.ge @!p0 [sflag:s0], s1  }
0x1f3: {  	s1 =	ssub.s32 @!p0 $0x0, s1;
	[sflag:s0] =	ssyncset.done @!p0 $0x0  }
0x1f4: {  	[sflag:s0] =	ssyncadd.s32 @!p0 s1  }
0x1f5: {  	[bflag:$0x3] =	sbarrier.arrive $0xFFFF  }
0x1f6: {  	_ =	shalt  }

</sc_bundles>
